<compile_context>
chip_gen: v7x
topology: tpu7x:2x2x1
jax: 0.10.2.dev20260603
libtpu: 0.0.44.dev20260713+nightly
codegen_flags: <defaults>
</compile_context>

<pallas_src>
import functools
import jax
import jax.numpy as jnp
from jax import lax
from jax.experimental import pallas as pl
from jax.experimental.pallas import tpu as pltpu
from jax.experimental.pallas import tpu_sc as plsc

B, L = 4096, 50
N = B * L
TOK_DIM, FEAT_DIM = 128, 32
OUT_DIM = TOK_DIM + 4 * FEAT_DIM

NC, NS = 2, 16
NW = NC * NS
G = 128
CPW = L
NS3 = 3


def _body(tokT, featT, tok_table, f0, f1, f2, f3, out, *scr):
  c = lax.axis_index("c")
  s = lax.axis_index("s")
  wid = s * NC + c
  b0 = wid * G
  ftabs = (f0, f1, f2, f3)

  itok = scr[0:NS3]
  ifeat = scr[NS3:2 * NS3]
  tokbuf = scr[2 * NS3:3 * NS3]
  comb = scr[3 * NS3:4 * NS3]
  isem = scr[4 * NS3:5 * NS3]
  psem = scr[5 * NS3:6 * NS3]
  gsem = scr[6 * NS3:7 * NS3]
  wsem = scr[7 * NS3:8 * NS3]

  def idx_copies(l, b):
    return [pltpu.make_async_copy(tokT.at[pl.ds(l, 1), pl.ds(b0, G)], itok[b], isem[b]),
            pltpu.make_async_copy(featT.at[l, :, pl.ds(b0, G)], ifeat[b], isem[b])]

  def pos_copy(b):
    return pltpu.make_async_copy(f0.at[ifeat[b].at[0]], comb[b], psem[b])

  def main_copies(b):
    dts = [pltpu.make_async_copy(tok_table.at[itok[b].at[0]], tokbuf[b], gsem[b])]
    for q in range(1, 4):
      dts.append(pltpu.make_async_copy(
          ftabs[q].at[ifeat[b].at[q]], comb[b], gsem[b]))
    return dts

  def w_copies(l, b):
    dst0 = out.at[pl.ds(l, 1), pl.ds(b0, G), pl.ds(0, TOK_DIM)]
    dst1 = out.at[pl.ds(l, 1), pl.ds(b0, G), pl.ds(TOK_DIM, TOK_DIM)]
    return [pltpu.make_async_copy(tokbuf[b].reshape(1, G, TOK_DIM), dst0, wsem[b]),
            pltpu.make_async_copy(comb[b].reshape(1, G, TOK_DIM), dst1, wsem[b])]

  def issue(ds_):
    for d in ds_:
      d.start()

  def drain(ds_):
    for d in ds_:
      d.wait()

  issue(idx_copies(0, 0))

  def outer(io, carry):
    for k in range(NS3):
      v = NS3 * io + k
      sa, sb, sw, si = k, (k + 2) % NS3, (k + 1) % NS3, (k + 1) % NS3

      @pl.when(v <= CPW - 1)
      def _ga():
        @pl.when(v >= NS3)
        def _():
          drain(w_copies(v - NS3, sa))
        drain(idx_copies(v, sa))
        pos_copy(sa).start()
        issue(main_copies(sa)[:1])

      @pl.when(jnp.logical_and(v >= 1, v <= CPW))
      def _gb():
        pos_copy(sb).wait()
        for d in main_copies(sb)[1:]:
          d.start(add=True)

      @pl.when(jnp.logical_and(v >= 2, v <= CPW + 1))
      def _w():
        drain(main_copies(sw))
        issue(w_copies(v - 2, sw))

      @pl.when(v + 1 <= CPW - 1)
      def _i():
        issue(idx_copies(v + 1, si))
    return carry

  lax.fori_loop(0, (CPW + NS3 + 1) // NS3, outer, 0)

  for ch in range(CPW - NS3, CPW):
    drain(w_copies(ch, ch % NS3))


@jax.jit
def _embed(tokT, featT, tok_table, f0, f1, f2, f3):
  mesh = plsc.VectorSubcoreMesh(core_axis_name="c", subcore_axis_name="s")
  scr = []
  scr += [pltpu.VMEM((1, G), jnp.int32)] * NS3
  scr += [pltpu.VMEM((4, G), jnp.int32)] * NS3
  scr += [pltpu.VMEM((G, TOK_DIM), jnp.float32)] * NS3
  scr += [pltpu.VMEM((G, TOK_DIM), jnp.float32)] * NS3
  scr += [pltpu.SemaphoreType.DMA] * (4 * NS3)
  run = pl.kernel(
      _body,
      out_type=jax.ShapeDtypeStruct((L, B, OUT_DIM), jnp.float32),
      mesh=mesh,
      scratch_types=scr,
  )
  return run(tokT, featT, tok_table, f0, f1, f2, f3)


def _shift_pad(table, quarter):
  v = table.shape[0]
  padded = jnp.zeros((v, TOK_DIM), jnp.float32)
  return lax.dynamic_update_slice(padded, table, (0, quarter * FEAT_DIM))


def kernel(tok_ids, feat_ids_pos, feat_ids_shape, feat_ids_prefix, feat_ids_suffix,
           tok_table, pos_table, shape_table, prefix_table, suffix_table):
  tokT = tok_ids.astype(jnp.int32).T
  featT = jnp.stack([feat_ids_pos.astype(jnp.int32).T,
                     feat_ids_shape.astype(jnp.int32).T,
                     feat_ids_prefix.astype(jnp.int32).T,
                     feat_ids_suffix.astype(jnp.int32).T], axis=1)
  outT = _embed(tokT, featT, tok_table,
                _shift_pad(pos_table, 0), _shift_pad(shape_table, 1),
                _shift_pad(prefix_table, 2), _shift_pad(suffix_table, 3))
  return outT.transpose(1, 0, 2)

# --- scband reference (transcript-rebuilt; emitter-appended) ---
"""Pipeline reference for scband-feature-embedder-40956808135083 (READ-ONLY COPY).

The authoritative reference and input builder live on the scoring server;
editing this copy changes nothing except your own understanding.
"""

import jax, jax.numpy as jnp
import numpy as np

B, L = 4096, 50
TOK_VOCAB, TOK_DIM = 100000, 128
FEAT_DIM = 32
FEAT_VOCABS = {"pos": 1024, "shape": 512, "prefix": 4096, "suffix": 4096}


def setup_inputs(seed: int = 0) -> dict:
    key = jax.random.key(seed)
    ks = jax.random.split(key, 10)
    tok_ids = jax.random.randint(ks[0], (B, L), 0, TOK_VOCAB, dtype=jnp.int64 if jax.config.jax_enable_x64 else jnp.int32)
    feat_ids_pos = jax.random.randint(ks[1], (B, L), 0, FEAT_VOCABS["pos"])
    feat_ids_shape = jax.random.randint(ks[2], (B, L), 0, FEAT_VOCABS["shape"])
    feat_ids_prefix = jax.random.randint(ks[3], (B, L), 0, FEAT_VOCABS["prefix"])
    feat_ids_suffix = jax.random.randint(ks[4], (B, L), 0, FEAT_VOCABS["suffix"])
    # learned parameters; padding_idx=0 rows zeroed (matches nn.Embedding padding_idx behavior)
    tok_table = jax.random.normal(ks[5], (TOK_VOCAB, TOK_DIM), dtype=jnp.float32).at[0].set(0.0)
    pos_table = jax.random.normal(ks[6], (FEAT_VOCABS["pos"], FEAT_DIM), dtype=jnp.float32).at[0].set(0.0)
    shape_table = jax.random.normal(ks[7], (FEAT_VOCABS["shape"], FEAT_DIM), dtype=jnp.float32).at[0].set(0.0)
    prefix_table = jax.random.normal(ks[8], (FEAT_VOCABS["prefix"], FEAT_DIM), dtype=jnp.float32).at[0].set(0.0)
    suffix_table = jax.random.normal(ks[9], (FEAT_VOCABS["suffix"], FEAT_DIM), dtype=jnp.float32).at[0].set(0.0)
    return {
        "tok_ids": tok_ids,
        "feat_ids_pos": feat_ids_pos,
        "feat_ids_shape": feat_ids_shape,
        "feat_ids_prefix": feat_ids_prefix,
        "feat_ids_suffix": feat_ids_suffix,
        "tok_table": tok_table,
        "pos_table": pos_table,
        "shape_table": shape_table,
        "prefix_table": prefix_table,
        "suffix_table": suffix_table,
    }


def reference(tok_ids, feat_ids_pos, feat_ids_shape, feat_ids_prefix, feat_ids_suffix,
              tok_table, pos_table, shape_table, prefix_table, suffix_table):
    tok_emb = jnp.take(tok_table, tok_ids, axis=0)            # [B, L, 128]
    pos_emb = jnp.take(pos_table, feat_ids_pos, axis=0)       # [B, L, 32]
    shape_emb = jnp.take(shape_table, feat_ids_shape, axis=0) # [B, L, 32]
    prefix_emb = jnp.take(prefix_table, feat_ids_prefix, axis=0)
    suffix_emb = jnp.take(suffix_table, feat_ids_suffix, axis=0)
    combined = jnp.concatenate([tok_emb, pos_emb, shape_emb, prefix_emb, suffix_emb], axis=-1)  # [B, L, 256]
    # dropout is identity in eval mode
    return combined

if __name__ == "__main__":
    import jax
    _d = setup_inputs()
    print(jax.jit(kernel)(*tuple(_d.values())))

</pallas_src>

<mosaic_0001>
#map = affine_map<(d0, d1) -> (0, 0)>
#map1 = affine_map<(d0, d1) -> (0, 0, 0)>
module attributes {stable_mosaic.version = 14 : i64} {
  func.func @_body(%arg0: i32, %arg1: i32, %arg2: memref<50x4096xi32, #tpu.memory_space<hbm>>, %arg3: memref<50x4x4096xi32, #tpu.memory_space<hbm>>, %arg4: memref<100000x128xf32, #tpu.memory_space<hbm>>, %arg5: memref<1024x128xf32, #tpu.memory_space<hbm>>, %arg6: memref<512x128xf32, #tpu.memory_space<hbm>>, %arg7: memref<4096x128xf32, #tpu.memory_space<hbm>>, %arg8: memref<4096x128xf32, #tpu.memory_space<hbm>>, %arg9: memref<50x4096x256xf32, #tpu.memory_space<hbm>>, %arg10: memref<1x128xi32, #tpu.memory_space<vmem>>, %arg11: memref<1x128xi32, #tpu.memory_space<vmem>>, %arg12: memref<1x128xi32, #tpu.memory_space<vmem>>, %arg13: memref<4x128xi32, #tpu.memory_space<vmem>>, %arg14: memref<4x128xi32, #tpu.memory_space<vmem>>, %arg15: memref<4x128xi32, #tpu.memory_space<vmem>>, %arg16: memref<128x128xf32, #tpu.memory_space<vmem>>, %arg17: memref<128x128xf32, #tpu.memory_space<vmem>>, %arg18: memref<128x128xf32, #tpu.memory_space<vmem>>, %arg19: memref<128x128xf32, #tpu.memory_space<vmem>>, %arg20: memref<128x128xf32, #tpu.memory_space<vmem>>, %arg21: memref<128x128xf32, #tpu.memory_space<vmem>>, %arg22: memref<!tpu.dma_semaphore, #tpu.memory_space<semaphore_mem>>, %arg23: memref<!tpu.dma_semaphore, #tpu.memory_space<semaphore_mem>>, %arg24: memref<!tpu.dma_semaphore, #tpu.memory_space<semaphore_mem>>, %arg25: memref<!tpu.dma_semaphore, #tpu.memory_space<semaphore_mem>>, %arg26: memref<!tpu.dma_semaphore, #tpu.memory_space<semaphore_mem>>, %arg27: memref<!tpu.dma_semaphore, #tpu.memory_space<semaphore_mem>>, %arg28: memref<!tpu.dma_semaphore, #tpu.memory_space<semaphore_mem>>, %arg29: memref<!tpu.dma_semaphore, #tpu.memory_space<semaphore_mem>>, %arg30: memref<!tpu.dma_semaphore, #tpu.memory_space<semaphore_mem>>, %arg31: memref<!tpu.dma_semaphore, #tpu.memory_space<semaphore_mem>>, %arg32: memref<!tpu.dma_semaphore, #tpu.memory_space<semaphore_mem>>, %arg33: memref<!tpu.dma_semaphore, #tpu.memory_space<semaphore_mem>>) attributes {dimension_semantics = [#tpu.dimension_semantics<core_parallel>, #tpu.dimension_semantics<subcore_parallel>], iteration_bounds = array<i64: 2, 16>, scalar_prefetch = 0 : i64, scratch_operands = 24 : i64, tpu.core_type = #tpu.core_type<sc_vector_subcore>, window_params = [{transform_indices = #map}, {transform_indices = #map1}, {transform_indices = #map}, {transform_indices = #map}, {transform_indices = #map}, {transform_indices = #map}, {transform_indices = #map}, {transform_indices = #map1}]} {
    %mul3A = arith.constant 2 : i32
    %mul3A_0 = arith.muli %arg1, %mul3A : i32
    %add3A = arith.addi %mul3A_0, %arg0 : i32
    %mul3A_1 = arith.constant 128 : i32
    %mul3A_2 = arith.muli %add3A, %mul3A_1 : i32
    %dma_start3A = arith.constant 0 : i32
    %dma_start3A_3 = tpu.memref_slice %arg2[%dma_start3A, %mul3A_2] : memref<50x4096xi32, #tpu.memory_space<hbm>> -> memref<1x128xi32, #tpu.memory_space<hbm>>
    %dma_start3A_4 = arith.constant 0 : i32
    %dma_start3A_5 = tpu.memref_slice %arg2[%dma_start3A_4, %mul3A_2] : memref<50x4096xi32, #tpu.memory_space<hbm>> -> memref<1x128xi32, #tpu.memory_space<hbm>>
    tpu.enqueue_dma source(%dma_start3A_5 : memref<1x128xi32, #tpu.memory_space<hbm>>) target(%arg10 : memref<1x128xi32, #tpu.memory_space<vmem>>) target_semaphore(%arg22 : memref<!tpu.dma_semaphore, #tpu.memory_space<semaphore_mem>>)
    %dma_start3A_6 = arith.constant 0 : i32
    %dma_start3A_7 = arith.constant 0 : i32
    %dma_start3A_8 = tpu.memref_slice %arg3[%dma_start3A_6, %dma_start3A_7, %mul3A_2] : memref<50x4x4096xi32, #tpu.memory_space<hbm>> -> memref<1x4x128xi32, #tpu.memory_space<hbm>>
    %dma_start3A_9 = tpu.memref_squeeze %dma_start3A_8 : memref<1x4x128xi32, #tpu.memory_space<hbm>> -> memref<4x128xi32, #tpu.memory_space<hbm>>
    %dma_start3A_10 = arith.constant 0 : i32
    %dma_start3A_11 = tpu.memref_slice %arg3[%dma_start3A_6, %dma_start3A_10, %mul3A_2] : memref<50x4x4096xi32, #tpu.memory_space<hbm>> -> memref<1x4x128xi32, #tpu.memory_space<hbm>>
    %dma_start3A_12 = tpu.memref_squeeze %dma_start3A_11 : memref<1x4x128xi32, #tpu.memory_space<hbm>> -> memref<4x128xi32, #tpu.memory_space<hbm>>
    tpu.enqueue_dma source(%dma_start3A_12 : memref<4x128xi32, #tpu.memory_space<hbm>>) target(%arg13 : memref<4x128xi32, #tpu.memory_space<vmem>>) target_semaphore(%arg22 : memref<!tpu.dma_semaphore, #tpu.memory_space<semaphore_mem>>)
    %scan3A = arith.constant 0 : i32
    %scan3A_13 = arith.constant 0 : i32
    %scan3A_14 = arith.constant 18 : i32
    %scan3A_15 = arith.addi %scan3A_13, %scan3A_14 : i32
    %scan3A_16 = arith.constant 1 : i32
    scf.for %scan3A_65 = %scan3A_13 to %scan3A_15 step %scan3A_16  : i32 {
      %mul3A_66 = arith.constant 3 : i32
      %mul3A_67 = arith.muli %mul3A_66, %scan3A_65 : i32
      %add3A_68 = arith.constant 0 : i32
      %add3A_69 = arith.addi %mul3A_67, %add3A_68 : i32
      %le3A = arith.constant 49 : i32
      %le3A_70 = arith.cmpi sle, %add3A_69, %le3A : i32
      %convert_element_type3A = arith.extui %le3A_70 : i1 to i32
      %cond3A = arith.constant 0 : i32
      %cond3A_71 = arith.cmpi ne, %convert_element_type3A, %cond3A : i32
      scf.if %cond3A_71 {
        %ge3A_157 = arith.constant 3 : i32
        %ge3A_158 = arith.cmpi sge, %add3A_69, %ge3A_157 : i32
        %convert_element_type3A_159 = arith.extui %ge3A_158 : i1 to i32
        %cond3A_160 = arith.constant 0 : i32
        %cond3A_161 = arith.cmpi ne, %convert_element_type3A_159, %cond3A_160 : i32
        scf.if %cond3A_161 {
          %sub3A = arith.constant 3 : i32
          %sub3A_184 = arith.subi %add3A_69, %sub3A : i32
          %dma_wait3A_185 = tpu.memref_reshape %arg16 : memref<128x128xf32, #tpu.memory_space<vmem>> -> memref<1x128x128xf32, #tpu.memory_space<vmem>>
          %dma_wait3A_186 = arith.constant 0 : i32
          %dma_wait3A_187 = tpu.memref_slice %arg9[%sub3A_184, %mul3A_2, %dma_wait3A_186] : memref<50x4096x256xf32, #tpu.memory_space<hbm>> -> memref<1x128x128xf32, #tpu.memory_space<hbm>>
          %dma_wait3A_188 = arith.constant 0 : i32
          %dma_wait3A_189 = tpu.memref_slice %arg9[%sub3A_184, %mul3A_2, %dma_wait3A_188] : memref<50x4096x256xf32, #tpu.memory_space<hbm>> -> memref<1x128x128xf32, #tpu.memory_space<hbm>>
          %dma_wait3A_190 = tpu.memref_reshape %arg16 : memref<128x128xf32, #tpu.memory_space<vmem>> -> memref<1x128x128xf32, #tpu.memory_space<vmem>>
          tpu.wait_dma2 semaphore(%arg31 : memref<!tpu.dma_semaphore, #tpu.memory_space<semaphore_mem>>) src(%dma_wait3A_190 : memref<1x128x128xf32, #tpu.memory_space<vmem>>) dst(%dma_wait3A_189 : memref<1x128x128xf32, #tpu.memory_space<hbm>>)
          %dma_wait3A_191 = tpu.memref_reshape %arg19 : memref<128x128xf32, #tpu.memory_space<vmem>> -> memref<1x128x128xf32, #tpu.memory_space<vmem>>
          %dma_wait3A_192 = arith.constant 128 : i32
          %dma_wait3A_193 = tpu.memref_slice %arg9[%sub3A_184, %mul3A_2, %dma_wait3A_192] : memref<50x4096x256xf32, #tpu.memory_space<hbm>> -> memref<1x128x128xf32, #tpu.memory_space<hbm>>
          %dma_wait3A_194 = arith.constant 128 : i32
          %dma_wait3A_195 = tpu.memref_slice %arg9[%sub3A_184, %mul3A_2, %dma_wait3A_194] : memref<50x4096x256xf32, #tpu.memory_space<hbm>> -> memref<1x128x128xf32, #tpu.memory_space<hbm>>
          %dma_wait3A_196 = tpu.memref_reshape %arg19 : memref<128x128xf32, #tpu.memory_space<vmem>> -> memref<1x128x128xf32, #tpu.memory_space<vmem>>
          tpu.wait_dma2 semaphore(%arg31 : memref<!tpu.dma_semaphore, #tpu.memory_space<semaphore_mem>>) src(%dma_wait3A_196 : memref<1x128x128xf32, #tpu.memory_space<vmem>>) dst(%dma_wait3A_195 : memref<1x128x128xf32, #tpu.memory_space<hbm>>)
        } else {
        }
        %dma_wait3A_162 = tpu.memref_slice %arg2[%add3A_69, %mul3A_2] : memref<50x4096xi32, #tpu.memory_space<hbm>> -> memref<1x128xi32, #tpu.memory_space<hbm>>
        %dma_wait3A_163 = tpu.memref_slice %arg2[%add3A_69, %mul3A_2] : memref<50x4096xi32, #tpu.memory_space<hbm>> -> memref<1x128xi32, #tpu.memory_space<hbm>>
        tpu.wait_dma2 semaphore(%arg22 : memref<!tpu.dma_semaphore, #tpu.memory_space<semaphore_mem>>) src(%dma_wait3A_163 : memref<1x128xi32, #tpu.memory_space<hbm>>) dst(%arg10 : memref<1x128xi32, #tpu.memory_space<vmem>>)
        %dma_wait3A_164 = arith.constant 0 : i32
        %dma_wait3A_165 = tpu.memref_slice %arg3[%add3A_69, %dma_wait3A_164, %mul3A_2] : memref<50x4x4096xi32, #tpu.memory_space<hbm>> -> memref<1x4x128xi32, #tpu.memory_space<hbm>>
        %dma_wait3A_166 = tpu.memref_squeeze %dma_wait3A_165 : memref<1x4x128xi32, #tpu.memory_space<hbm>> -> memref<4x128xi32, #tpu.memory_space<hbm>>
        %dma_wait3A_167 = arith.constant 0 : i32
        %dma_wait3A_168 = tpu.memref_slice %arg3[%add3A_69, %dma_wait3A_167, %mul3A_2] : memref<50x4x4096xi32, #tpu.memory_space<hbm>> -> memref<1x4x128xi32, #tpu.memory_space<hbm>>
        %dma_wait3A_169 = tpu.memref_squeeze %dma_wait3A_168 : memref<1x4x128xi32, #tpu.memory_space<hbm>> -> memref<4x128xi32, #tpu.memory_space<hbm>>
        tpu.wait_dma2 semaphore(%arg22 : memref<!tpu.dma_semaphore, #tpu.memory_space<semaphore_mem>>) src(%dma_wait3A_169 : memref<4x128xi32, #tpu.memory_space<hbm>>) dst(%arg13 : memref<4x128xi32, #tpu.memory_space<vmem>>)
        %dma_start3A_170 = arith.constant 0 : i32
        %dma_start3A_171 = arith.constant 0 : i32
        %dma_start3A_172 = tpu.memref_slice %arg13[%dma_start3A_170, %dma_start3A_171] : memref<4x128xi32, #tpu.memory_space<vmem>> -> memref<1x128xi32, #tpu.memory_space<vmem>>
        %dma_start3A_173 = tpu.memref_squeeze %dma_start3A_172 : memref<1x128xi32, #tpu.memory_space<vmem>> -> memref<128xi32, #tpu.memory_space<vmem>>
        %dma_start3A_174 = arith.constant 0 : i32
        %dma_start3A_175 = arith.constant 0 : i32
        %dma_start3A_176 = tpu.memref_slice %arg5[%dma_start3A_174, %dma_start3A_175] : memref<1024x128xf32, #tpu.memory_space<hbm>> -> memref<1024x128xf32, #tpu.memory_space<hbm>>
        tpu.enqueue_indirect_dma source(%dma_start3A_176 : memref<1024x128xf32, #tpu.memory_space<hbm>>) target(%arg19 : memref<128x128xf32, #tpu.memory_space<vmem>>) offsets(%dma_start3A_173 : memref<128xi32, #tpu.memory_space<vmem>>) semaphore(%arg25 : memref<!tpu.dma_semaphore, #tpu.memory_space<semaphore_mem>>)
        %dma_start3A_177 = arith.constant 0 : i32
        %dma_start3A_178 = arith.constant 0 : i32
        %dma_start3A_179 = tpu.memref_slice %arg10[%dma_start3A_177, %dma_start3A_178] : memref<1x128xi32, #tpu.memory_space<vmem>> -> memref<1x128xi32, #tpu.memory_space<vmem>>
        %dma_start3A_180 = tpu.memref_squeeze %dma_start3A_179 : memref<1x128xi32, #tpu.memory_space<vmem>> -> memref<128xi32, #tpu.memory_space<vmem>>
        %dma_start3A_181 = arith.constant 0 : i32
        %dma_start3A_182 = arith.constant 0 : i32
        %dma_start3A_183 = tpu.memref_slice %arg4[%dma_start3A_181, %dma_start3A_182] : memref<100000x128xf32, #tpu.memory_space<hbm>> -> memref<100000x128xf32, #tpu.memory_space<hbm>>
        tpu.enqueue_indirect_dma source(%dma_start3A_183 : memref<100000x128xf32, #tpu.memory_space<hbm>>) target(%arg16 : memref<128x128xf32, #tpu.memory_space<vmem>>) offsets(%dma_start3A_180 : memref<128xi32, #tpu.memory_space<vmem>>) semaphore(%arg28 : memref<!tpu.dma_semaphore, #tpu.memory_space<semaphore_mem>>)
      } else {
      }
      %ge3A = arith.constant 1 : i32
      %ge3A_72 = arith.cmpi sge, %add3A_69, %ge3A : i32
      %le3A_73 = arith.constant 50 : i32
      %le3A_74 = arith.cmpi sle, %add3A_69, %le3A_73 : i32
      %and3A = arith.andi %ge3A_72, %le3A_74 : i1
      %convert_element_type3A_75 = arith.extui %and3A : i1 to i32
      %cond3A_76 = arith.constant 0 : i32
      %cond3A_77 = arith.cmpi ne, %convert_element_type3A_75, %cond3A_76 : i32
      scf.if %cond3A_77 {
        %dma_wait3A_157 = arith.constant 0 : i32
        %dma_wait3A_158 = arith.constant 0 : i32
        %dma_wait3A_159 = tpu.memref_slice %arg15[%dma_wait3A_157, %dma_wait3A_158] : memref<4x128xi32, #tpu.memory_space<vmem>> -> memref<1x128xi32, #tpu.memory_space<vmem>>
        %dma_wait3A_160 = tpu.memref_squeeze %dma_wait3A_159 : memref<1x128xi32, #tpu.memory_space<vmem>> -> memref<128xi32, #tpu.memory_space<vmem>>
        %dma_wait3A_161 = arith.constant 0 : i32
        %dma_wait3A_162 = arith.constant 0 : i32
        %dma_wait3A_163 = tpu.memref_slice %arg5[%dma_wait3A_161, %dma_wait3A_162] : memref<1024x128xf32, #tpu.memory_space<hbm>> -> memref<1024x128xf32, #tpu.memory_space<hbm>>
        tpu.wait_indirect_dma semaphore(%arg27 : memref<!tpu.dma_semaphore, #tpu.memory_space<semaphore_mem>>) src(%dma_wait3A_163 : memref<1024x128xf32, #tpu.memory_space<hbm>>) dst(%arg21 : memref<128x128xf32, #tpu.memory_space<vmem>>)
        %dma_start3A_164 = arith.constant 1 : i32
        %dma_start3A_165 = arith.constant 0 : i32
        %dma_start3A_166 = tpu.memref_slice %arg15[%dma_start3A_164, %dma_start3A_165] : memref<4x128xi32, #tpu.memory_space<vmem>> -> memref<1x128xi32, #tpu.memory_space<vmem>>
        %dma_start3A_167 = tpu.memref_squeeze %dma_start3A_166 : memref<1x128xi32, #tpu.memory_space<vmem>> -> memref<128xi32, #tpu.memory_space<vmem>>
        %dma_start3A_168 = arith.constant 0 : i32
        %dma_start3A_169 = arith.constant 0 : i32
        %dma_start3A_170 = tpu.memref_slice %arg6[%dma_start3A_168, %dma_start3A_169] : memref<512x128xf32, #tpu.memory_space<hbm>> -> memref<512x128xf32, #tpu.memory_space<hbm>>
        tpu.enqueue_indirect_dma source(%dma_start3A_170 : memref<512x128xf32, #tpu.memory_space<hbm>>) target(%arg21 : memref<128x128xf32, #tpu.memory_space<vmem>>) offsets(%dma_start3A_167 : memref<128xi32, #tpu.memory_space<vmem>>) semaphore(%arg30 : memref<!tpu.dma_semaphore, #tpu.memory_space<semaphore_mem>>) {add = true}
        %dma_start3A_171 = arith.constant 2 : i32
        %dma_start3A_172 = arith.constant 0 : i32
        %dma_start3A_173 = tpu.memref_slice %arg15[%dma_start3A_171, %dma_start3A_172] : memref<4x128xi32, #tpu.memory_space<vmem>> -> memref<1x128xi32, #tpu.memory_space<vmem>>
        %dma_start3A_174 = tpu.memref_squeeze %dma_start3A_173 : memref<1x128xi32, #tpu.memory_space<vmem>> -> memref<128xi32, #tpu.memory_space<vmem>>
        %dma_start3A_175 = arith.constant 0 : i32
        %dma_start3A_176 = arith.constant 0 : i32
        %dma_start3A_177 = tpu.memref_slice %arg7[%dma_start3A_175, %dma_start3A_176] : memref<4096x128xf32, #tpu.memory_space<hbm>> -> memref<4096x128xf32, #tpu.memory_space<hbm>>
        tpu.enqueue_indirect_dma source(%dma_start3A_177 : memref<4096x128xf32, #tpu.memory_space<hbm>>) target(%arg21 : memref<128x128xf32, #tpu.memory_space<vmem>>) offsets(%dma_start3A_174 : memref<128xi32, #tpu.memory_space<vmem>>) semaphore(%arg30 : memref<!tpu.dma_semaphore, #tpu.memory_space<semaphore_mem>>) {add = true}
        %dma_start3A_178 = arith.constant 3 : i32
        %dma_start3A_179 = arith.constant 0 : i32
        %dma_start3A_180 = tpu.memref_slice %arg15[%dma_start3A_178, %dma_start3A_179] : memref<4x128xi32, #tpu.memory_space<vmem>> -> memref<1x128xi32, #tpu.memory_space<vmem>>
        %dma_start3A_181 = tpu.memref_squeeze %dma_start3A_180 : memref<1x128xi32, #tpu.memory_space<vmem>> -> memref<128xi32, #tpu.memory_space<vmem>>
        %dma_start3A_182 = arith.constant 0 : i32
        %dma_start3A_183 = arith.constant 0 : i32
        %dma_start3A_184 = tpu.memref_slice %arg8[%dma_start3A_182, %dma_start3A_183] : memref<4096x128xf32, #tpu.memory_space<hbm>> -> memref<4096x128xf32, #tpu.memory_space<hbm>>
        tpu.enqueue_indirect_dma source(%dma_start3A_184 : memref<4096x128xf32, #tpu.memory_space<hbm>>) target(%arg21 : memref<128x128xf32, #tpu.memory_space<vmem>>) offsets(%dma_start3A_181 : memref<128xi32, #tpu.memory_space<vmem>>) semaphore(%arg30 : memref<!tpu.dma_semaphore, #tpu.memory_space<semaphore_mem>>) {add = true}
      } else {
      }
      %ge3A_78 = arith.constant 2 : i32
      %ge3A_79 = arith.cmpi sge, %add3A_69, %ge3A_78 : i32
      %le3A_80 = arith.constant 51 : i32
      %le3A_81 = arith.cmpi sle, %add3A_69, %le3A_80 : i32
      %and3A_82 = arith.andi %ge3A_79, %le3A_81 : i1
      %convert_element_type3A_83 = arith.extui %and3A_82 : i1 to i32
      %cond3A_84 = arith.constant 0 : i32
      %cond3A_85 = arith.cmpi ne, %convert_element_type3A_83, %cond3A_84 : i32
      scf.if %cond3A_85 {
        %dma_wait3A_157 = arith.constant 0 : i32
        %dma_wait3A_158 = arith.constant 0 : i32
        %dma_wait3A_159 = tpu.memref_slice %arg11[%dma_wait3A_157, %dma_wait3A_158] : memref<1x128xi32, #tpu.memory_space<vmem>> -> memref<1x128xi32, #tpu.memory_space<vmem>>
        %dma_wait3A_160 = tpu.memref_squeeze %dma_wait3A_159 : memref<1x128xi32, #tpu.memory_space<vmem>> -> memref<128xi32, #tpu.memory_space<vmem>>
        %dma_wait3A_161 = arith.constant 0 : i32
        %dma_wait3A_162 = arith.constant 0 : i32
        %dma_wait3A_163 = tpu.memref_slice %arg4[%dma_wait3A_161, %dma_wait3A_162] : memref<100000x128xf32, #tpu.memory_space<hbm>> -> memref<100000x128xf32, #tpu.memory_space<hbm>>
        tpu.wait_indirect_dma semaphore(%arg29 : memref<!tpu.dma_semaphore, #tpu.memory_space<semaphore_mem>>) src(%dma_wait3A_163 : memref<100000x128xf32, #tpu.memory_space<hbm>>) dst(%arg17 : memref<128x128xf32, #tpu.memory_space<vmem>>)
        %dma_wait3A_164 = arith.constant 1 : i32
        %dma_wait3A_165 = arith.constant 0 : i32
        %dma_wait3A_166 = tpu.memref_slice %arg14[%dma_wait3A_164, %dma_wait3A_165] : memref<4x128xi32, #tpu.memory_space<vmem>> -> memref<1x128xi32, #tpu.memory_space<vmem>>
        %dma_wait3A_167 = tpu.memref_squeeze %dma_wait3A_166 : memref<1x128xi32, #tpu.memory_space<vmem>> -> memref<128xi32, #tpu.memory_space<vmem>>
        %dma_wait3A_168 = arith.constant 0 : i32
        %dma_wait3A_169 = arith.constant 0 : i32
        %dma_wait3A_170 = tpu.memref_slice %arg6[%dma_wait3A_168, %dma_wait3A_169] : memref<512x128xf32, #tpu.memory_space<hbm>> -> memref<512x128xf32, #tpu.memory_space<hbm>>
        tpu.wait_indirect_dma semaphore(%arg29 : memref<!tpu.dma_semaphore, #tpu.memory_space<semaphore_mem>>) src(%dma_wait3A_170 : memref<512x128xf32, #tpu.memory_space<hbm>>) dst(%arg20 : memref<128x128xf32, #tpu.memory_space<vmem>>)
        %dma_wait3A_171 = arith.constant 2 : i32
        %dma_wait3A_172 = arith.constant 0 : i32
        %dma_wait3A_173 = tpu.memref_slice %arg14[%dma_wait3A_171, %dma_wait3A_172] : memref<4x128xi32, #tpu.memory_space<vmem>> -> memref<1x128xi32, #tpu.memory_space<vmem>>
        %dma_wait3A_174 = tpu.memref_squeeze %dma_wait3A_173 : memref<1x128xi32, #tpu.memory_space<vmem>> -> memref<128xi32, #tpu.memory_space<vmem>>
        %dma_wait3A_175 = arith.constant 0 : i32
        %dma_wait3A_176 = arith.constant 0 : i32
        %dma_wait3A_177 = tpu.memref_slice %arg7[%dma_wait3A_175, %dma_wait3A_176] : memref<4096x128xf32, #tpu.memory_space<hbm>> -> memref<4096x128xf32, #tpu.memory_space<hbm>>
        tpu.wait_indirect_dma semaphore(%arg29 : memref<!tpu.dma_semaphore, #tpu.memory_space<semaphore_mem>>) src(%dma_wait3A_177 : memref<4096x128xf32, #tpu.memory_space<hbm>>) dst(%arg20 : memref<128x128xf32, #tpu.memory_space<vmem>>)
        %dma_wait3A_178 = arith.constant 3 : i32
        %dma_wait3A_179 = arith.constant 0 : i32
        %dma_wait3A_180 = tpu.memref_slice %arg14[%dma_wait3A_178, %dma_wait3A_179] : memref<4x128xi32, #tpu.memory_space<vmem>> -> memref<1x128xi32, #tpu.memory_space<vmem>>
        %dma_wait3A_181 = tpu.memref_squeeze %dma_wait3A_180 : memref<1x128xi32, #tpu.memory_space<vmem>> -> memref<128xi32, #tpu.memory_space<vmem>>
        %dma_wait3A_182 = arith.constant 0 : i32
        %dma_wait3A_183 = arith.constant 0 : i32
        %dma_wait3A_184 = tpu.memref_slice %arg8[%dma_wait3A_182, %dma_wait3A_183] : memref<4096x128xf32, #tpu.memory_space<hbm>> -> memref<4096x128xf32, #tpu.memory_space<hbm>>
        tpu.wait_indirect_dma semaphore(%arg29 : memref<!tpu.dma_semaphore, #tpu.memory_space<semaphore_mem>>) src(%dma_wait3A_184 : memref<4096x128xf32, #tpu.memory_space<hbm>>) dst(%arg20 : memref<128x128xf32, #tpu.memory_space<vmem>>)
        %sub3A = arith.constant 2 : i32
        %sub3A_185 = arith.subi %add3A_69, %sub3A : i32
        %dma_start3A_186 = tpu.memref_reshape %arg17 : memref<128x128xf32, #tpu.memory_space<vmem>> -> memref<1x128x128xf32, #tpu.memory_space<vmem>>
        %dma_start3A_187 = arith.constant 0 : i32
        %dma_start3A_188 = tpu.memref_slice %arg9[%sub3A_185, %mul3A_2, %dma_start3A_187] : memref<50x4096x256xf32, #tpu.memory_space<hbm>> -> memref<1x128x128xf32, #tpu.memory_space<hbm>>
        %dma_start3A_189 = arith.constant 0 : i32
        %dma_start3A_190 = tpu.memref_slice %arg9[%sub3A_185, %mul3A_2, %dma_start3A_189] : memref<50x4096x256xf32, #tpu.memory_space<hbm>> -> memref<1x128x128xf32, #tpu.memory_space<hbm>>
        %dma_start3A_191 = tpu.memref_reshape %arg17 : memref<128x128xf32, #tpu.memory_space<vmem>> -> memref<1x128x128xf32, #tpu.memory_space<vmem>>
        tpu.enqueue_dma source(%dma_start3A_191 : memref<1x128x128xf32, #tpu.memory_space<vmem>>) target(%dma_start3A_190 : memref<1x128x128xf32, #tpu.memory_space<hbm>>) target_semaphore(%arg32 : memref<!tpu.dma_semaphore, #tpu.memory_space<semaphore_mem>>)
        %dma_start3A_192 = tpu.memref_reshape %arg20 : memref<128x128xf32, #tpu.memory_space<vmem>> -> memref<1x128x128xf32, #tpu.memory_space<vmem>>
        %dma_start3A_193 = arith.constant 128 : i32
        %dma_start3A_194 = tpu.memref_slice %arg9[%sub3A_185, %mul3A_2, %dma_start3A_193] : memref<50x4096x256xf32, #tpu.memory_space<hbm>> -> memref<1x128x128xf32, #tpu.memory_space<hbm>>
        %dma_start3A_195 = arith.constant 128 : i32
        %dma_start3A_196 = tpu.memref_slice %arg9[%sub3A_185, %mul3A_2, %dma_start3A_195] : memref<50x4096x256xf32, #tpu.memory_space<hbm>> -> memref<1x128x128xf32, #tpu.memory_space<hbm>>
        %dma_start3A_197 = tpu.memref_reshape %arg20 : memref<128x128xf32, #tpu.memory_space<vmem>> -> memref<1x128x128xf32, #tpu.memory_space<vmem>>
        tpu.enqueue_dma source(%dma_start3A_197 : memref<1x128x128xf32, #tpu.memory_space<vmem>>) target(%dma_start3A_196 : memref<1x128x128xf32, #tpu.memory_space<hbm>>) target_semaphore(%arg32 : memref<!tpu.dma_semaphore, #tpu.memory_space<semaphore_mem>>)
      } else {
      }
      %add3A_86 = arith.constant 1 : i32
      %add3A_87 = arith.addi %add3A_69, %add3A_86 : i32
      %le3A_88 = arith.constant 49 : i32
      %le3A_89 = arith.cmpi sle, %add3A_87, %le3A_88 : i32
      %convert_element_type3A_90 = arith.extui %le3A_89 : i1 to i32
      %cond3A_91 = arith.constant 0 : i32
      %cond3A_92 = arith.cmpi ne, %convert_element_type3A_90, %cond3A_91 : i32
      scf.if %cond3A_92 {
        %add3A_157 = arith.constant 1 : i32
        %add3A_158 = arith.addi %add3A_69, %add3A_157 : i32
        %dma_start3A_159 = tpu.memref_slice %arg2[%add3A_158, %mul3A_2] : memref<50x4096xi32, #tpu.memory_space<hbm>> -> memref<1x128xi32, #tpu.memory_space<hbm>>
        %dma_start3A_160 = tpu.memref_slice %arg2[%add3A_158, %mul3A_2] : memref<50x4096xi32, #tpu.memory_space<hbm>> -> memref<1x128xi32, #tpu.memory_space<hbm>>
        tpu.enqueue_dma source(%dma_start3A_160 : memref<1x128xi32, #tpu.memory_space<hbm>>) target(%arg11 : memref<1x128xi32, #tpu.memory_space<vmem>>) target_semaphore(%arg23 : memref<!tpu.dma_semaphore, #tpu.memory_space<semaphore_mem>>)
        %dma_start3A_161 = arith.constant 0 : i32
        %dma_start3A_162 = tpu.memref_slice %arg3[%add3A_158, %dma_start3A_161, %mul3A_2] : memref<50x4x4096xi32, #tpu.memory_space<hbm>> -> memref<1x4x128xi32, #tpu.memory_space<hbm>>
        %dma_start3A_163 = tpu.memref_squeeze %dma_start3A_162 : memref<1x4x128xi32, #tpu.memory_space<hbm>> -> memref<4x128xi32, #tpu.memory_space<hbm>>
        %dma_start3A_164 = arith.constant 0 : i32
        %dma_start3A_165 = tpu.memref_slice %arg3[%add3A_158, %dma_start3A_164, %mul3A_2] : memref<50x4x4096xi32, #tpu.memory_space<hbm>> -> memref<1x4x128xi32, #tpu.memory_space<hbm>>
        %dma_start3A_166 = tpu.memref_squeeze %dma_start3A_165 : memref<1x4x128xi32, #tpu.memory_space<hbm>> -> memref<4x128xi32, #tpu.memory_space<hbm>>
        tpu.enqueue_dma source(%dma_start3A_166 : memref<4x128xi32, #tpu.memory_space<hbm>>) target(%arg14 : memref<4x128xi32, #tpu.memory_space<vmem>>) target_semaphore(%arg23 : memref<!tpu.dma_semaphore, #tpu.memory_space<semaphore_mem>>)
      } else {
      }
      %mul3A_93 = arith.constant 3 : i32
      %mul3A_94 = arith.muli %mul3A_93, %scan3A_65 : i32
      %add3A_95 = arith.constant 1 : i32
      %add3A_96 = arith.addi %mul3A_94, %add3A_95 : i32
      %le3A_97 = arith.constant 49 : i32
      %le3A_98 = arith.cmpi sle, %add3A_96, %le3A_97 : i32
      %convert_element_type3A_99 = arith.extui %le3A_98 : i1 to i32
      %cond3A_100 = arith.constant 0 : i32
      %cond3A_101 = arith.cmpi ne, %convert_element_type3A_99, %cond3A_100 : i32
      scf.if %cond3A_101 {
        %ge3A_157 = arith.constant 3 : i32
        %ge3A_158 = arith.cmpi sge, %add3A_96, %ge3A_157 : i32
        %convert_element_type3A_159 = arith.extui %ge3A_158 : i1 to i32
        %cond3A_160 = arith.constant 0 : i32
        %cond3A_161 = arith.cmpi ne, %convert_element_type3A_159, %cond3A_160 : i32
        scf.if %cond3A_161 {
          %sub3A = arith.constant 3 : i32
          %sub3A_184 = arith.subi %add3A_96, %sub3A : i32
          %dma_wait3A_185 = tpu.memref_reshape %arg17 : memref<128x128xf32, #tpu.memory_space<vmem>> -> memref<1x128x128xf32, #tpu.memory_space<vmem>>
          %dma_wait3A_186 = arith.constant 0 : i32
          %dma_wait3A_187 = tpu.memref_slice %arg9[%sub3A_184, %mul3A_2, %dma_wait3A_186] : memref<50x4096x256xf32, #tpu.memory_space<hbm>> -> memref<1x128x128xf32, #tpu.memory_space<hbm>>
          %dma_wait3A_188 = arith.constant 0 : i32
          %dma_wait3A_189 = tpu.memref_slice %arg9[%sub3A_184, %mul3A_2, %dma_wait3A_188] : memref<50x4096x256xf32, #tpu.memory_space<hbm>> -> memref<1x128x128xf32, #tpu.memory_space<hbm>>
          %dma_wait3A_190 = tpu.memref_reshape %arg17 : memref<128x128xf32, #tpu.memory_space<vmem>> -> memref<1x128x128xf32, #tpu.memory_space<vmem>>
          tpu.wait_dma2 semaphore(%arg32 : memref<!tpu.dma_semaphore, #tpu.memory_space<semaphore_mem>>) src(%dma_wait3A_190 : memref<1x128x128xf32, #tpu.memory_space<vmem>>) dst(%dma_wait3A_189 : memref<1x128x128xf32, #tpu.memory_space<hbm>>)
          %dma_wait3A_191 = tpu.memref_reshape %arg20 : memref<128x128xf32, #tpu.memory_space<vmem>> -> memref<1x128x128xf32, #tpu.memory_space<vmem>>
          %dma_wait3A_192 = arith.constant 128 : i32
          %dma_wait3A_193 = tpu.memref_slice %arg9[%sub3A_184, %mul3A_2, %dma_wait3A_192] : memref<50x4096x256xf32, #tpu.memory_space<hbm>> -> memref<1x128x128xf32, #tpu.memory_space<hbm>>
          %dma_wait3A_194 = arith.constant 128 : i32
          %dma_wait3A_195 = tpu.memref_slice %arg9[%sub3A_184, %mul3A_2, %dma_wait3A_194] : memref<50x4096x256xf32, #tpu.memory_space<hbm>> -> memref<1x128x128xf32, #tpu.memory_space<hbm>>
          %dma_wait3A_196 = tpu.memref_reshape %arg20 : memref<128x128xf32, #tpu.memory_space<vmem>> -> memref<1x128x128xf32, #tpu.memory_space<vmem>>
          tpu.wait_dma2 semaphore(%arg32 : memref<!tpu.dma_semaphore, #tpu.memory_space<semaphore_mem>>) src(%dma_wait3A_196 : memref<1x128x128xf32, #tpu.memory_space<vmem>>) dst(%dma_wait3A_195 : memref<1x128x128xf32, #tpu.memory_space<hbm>>)
        } else {
        }
        %dma_wait3A_162 = tpu.memref_slice %arg2[%add3A_96, %mul3A_2] : memref<50x4096xi32, #tpu.memory_space<hbm>> -> memref<1x128xi32, #tpu.memory_space<hbm>>
        %dma_wait3A_163 = tpu.memref_slice %arg2[%add3A_96, %mul3A_2] : memref<50x4096xi32, #tpu.memory_space<hbm>> -> memref<1x128xi32, #tpu.memory_space<hbm>>
        tpu.wait_dma2 semaphore(%arg23 : memref<!tpu.dma_semaphore, #tpu.memory_space<semaphore_mem>>) src(%dma_wait3A_163 : memref<1x128xi32, #tpu.memory_space<hbm>>) dst(%arg11 : memref<1x128xi32, #tpu.memory_space<vmem>>)
        %dma_wait3A_164 = arith.constant 0 : i32
        %dma_wait3A_165 = tpu.memref_slice %arg3[%add3A_96, %dma_wait3A_164, %mul3A_2] : memref<50x4x4096xi32, #tpu.memory_space<hbm>> -> memref<1x4x128xi32, #tpu.memory_space<hbm>>
        %dma_wait3A_166 = tpu.memref_squeeze %dma_wait3A_165 : memref<1x4x128xi32, #tpu.memory_space<hbm>> -> memref<4x128xi32, #tpu.memory_space<hbm>>
        %dma_wait3A_167 = arith.constant 0 : i32
        %dma_wait3A_168 = tpu.memref_slice %arg3[%add3A_96, %dma_wait3A_167, %mul3A_2] : memref<50x4x4096xi32, #tpu.memory_space<hbm>> -> memref<1x4x128xi32, #tpu.memory_space<hbm>>
        %dma_wait3A_169 = tpu.memref_squeeze %dma_wait3A_168 : memref<1x4x128xi32, #tpu.memory_space<hbm>> -> memref<4x128xi32, #tpu.memory_space<hbm>>
        tpu.wait_dma2 semaphore(%arg23 : memref<!tpu.dma_semaphore, #tpu.memory_space<semaphore_mem>>) src(%dma_wait3A_169 : memref<4x128xi32, #tpu.memory_space<hbm>>) dst(%arg14 : memref<4x128xi32, #tpu.memory_space<vmem>>)
        %dma_start3A_170 = arith.constant 0 : i32
        %dma_start3A_171 = arith.constant 0 : i32
        %dma_start3A_172 = tpu.memref_slice %arg14[%dma_start3A_170, %dma_start3A_171] : memref<4x128xi32, #tpu.memory_space<vmem>> -> memref<1x128xi32, #tpu.memory_space<vmem>>
        %dma_start3A_173 = tpu.memref_squeeze %dma_start3A_172 : memref<1x128xi32, #tpu.memory_space<vmem>> -> memref<128xi32, #tpu.memory_space<vmem>>
        %dma_start3A_174 = arith.constant 0 : i32
        %dma_start3A_175 = arith.constant 0 : i32
        %dma_start3A_176 = tpu.memref_slice %arg5[%dma_start3A_174, %dma_start3A_175] : memref<1024x128xf32, #tpu.memory_space<hbm>> -> memref<1024x128xf32, #tpu.memory_space<hbm>>
        tpu.enqueue_indirect_dma source(%dma_start3A_176 : memref<1024x128xf32, #tpu.memory_space<hbm>>) target(%arg20 : memref<128x128xf32, #tpu.memory_space<vmem>>) offsets(%dma_start3A_173 : memref<128xi32, #tpu.memory_space<vmem>>) semaphore(%arg26 : memref<!tpu.dma_semaphore, #tpu.memory_space<semaphore_mem>>)
        %dma_start3A_177 = arith.constant 0 : i32
        %dma_start3A_178 = arith.constant 0 : i32
        %dma_start3A_179 = tpu.memref_slice %arg11[%dma_start3A_177, %dma_start3A_178] : memref<1x128xi32, #tpu.memory_space<vmem>> -> memref<1x128xi32, #tpu.memory_space<vmem>>
        %dma_start3A_180 = tpu.memref_squeeze %dma_start3A_179 : memref<1x128xi32, #tpu.memory_space<vmem>> -> memref<128xi32, #tpu.memory_space<vmem>>
        %dma_start3A_181 = arith.constant 0 : i32
        %dma_start3A_182 = arith.constant 0 : i32
        %dma_start3A_183 = tpu.memref_slice %arg4[%dma_start3A_181, %dma_start3A_182] : memref<100000x128xf32, #tpu.memory_space<hbm>> -> memref<100000x128xf32, #tpu.memory_space<hbm>>
        tpu.enqueue_indirect_dma source(%dma_start3A_183 : memref<100000x128xf32, #tpu.memory_space<hbm>>) target(%arg17 : memref<128x128xf32, #tpu.memory_space<vmem>>) offsets(%dma_start3A_180 : memref<128xi32, #tpu.memory_space<vmem>>) semaphore(%arg29 : memref<!tpu.dma_semaphore, #tpu.memory_space<semaphore_mem>>)
      } else {
      }
      %ge3A_102 = arith.constant 1 : i32
      %ge3A_103 = arith.cmpi sge, %add3A_96, %ge3A_102 : i32
      %le3A_104 = arith.constant 50 : i32
      %le3A_105 = arith.cmpi sle, %add3A_96, %le3A_104 : i32
      %and3A_106 = arith.andi %ge3A_103, %le3A_105 : i1
      %convert_element_type3A_107 = arith.extui %and3A_106 : i1 to i32
      %cond3A_108 = arith.constant 0 : i32
      %cond3A_109 = arith.cmpi ne, %convert_element_type3A_107, %cond3A_108 : i32
      scf.if %cond3A_109 {
        %dma_wait3A_157 = arith.constant 0 : i32
        %dma_wait3A_158 = arith.constant 0 : i32
        %dma_wait3A_159 = tpu.memref_slice %arg13[%dma_wait3A_157, %dma_wait3A_158] : memref<4x128xi32, #tpu.memory_space<vmem>> -> memref<1x128xi32, #tpu.memory_space<vmem>>
        %dma_wait3A_160 = tpu.memref_squeeze %dma_wait3A_159 : memref<1x128xi32, #tpu.memory_space<vmem>> -> memref<128xi32, #tpu.memory_space<vmem>>
        %dma_wait3A_161 = arith.constant 0 : i32
        %dma_wait3A_162 = arith.constant 0 : i32
        %dma_wait3A_163 = tpu.memref_slice %arg5[%dma_wait3A_161, %dma_wait3A_162] : memref<1024x128xf32, #tpu.memory_space<hbm>> -> memref<1024x128xf32, #tpu.memory_space<hbm>>
        tpu.wait_indirect_dma semaphore(%arg25 : memref<!tpu.dma_semaphore, #tpu.memory_space<semaphore_mem>>) src(%dma_wait3A_163 : memref<1024x128xf32, #tpu.memory_space<hbm>>) dst(%arg19 : memref<128x128xf32, #tpu.memory_space<vmem>>)
        %dma_start3A_164 = arith.constant 1 : i32
        %dma_start3A_165 = arith.constant 0 : i32
        %dma_start3A_166 = tpu.memref_slice %arg13[%dma_start3A_164, %dma_start3A_165] : memref<4x128xi32, #tpu.memory_space<vmem>> -> memref<1x128xi32, #tpu.memory_space<vmem>>
        %dma_start3A_167 = tpu.memref_squeeze %dma_start3A_166 : memref<1x128xi32, #tpu.memory_space<vmem>> -> memref<128xi32, #tpu.memory_space<vmem>>
        %dma_start3A_168 = arith.constant 0 : i32
        %dma_start3A_169 = arith.constant 0 : i32
        %dma_start3A_170 = tpu.memref_slice %arg6[%dma_start3A_168, %dma_start3A_169] : memref<512x128xf32, #tpu.memory_space<hbm>> -> memref<512x128xf32, #tpu.memory_space<hbm>>
        tpu.enqueue_indirect_dma source(%dma_start3A_170 : memref<512x128xf32, #tpu.memory_space<hbm>>) target(%arg19 : memref<128x128xf32, #tpu.memory_space<vmem>>) offsets(%dma_start3A_167 : memref<128xi32, #tpu.memory_space<vmem>>) semaphore(%arg28 : memref<!tpu.dma_semaphore, #tpu.memory_space<semaphore_mem>>) {add = true}
        %dma_start3A_171 = arith.constant 2 : i32
        %dma_start3A_172 = arith.constant 0 : i32
        %dma_start3A_173 = tpu.memref_slice %arg13[%dma_start3A_171, %dma_start3A_172] : memref<4x128xi32, #tpu.memory_space<vmem>> -> memref<1x128xi32, #tpu.memory_space<vmem>>
        %dma_start3A_174 = tpu.memref_squeeze %dma_start3A_173 : memref<1x128xi32, #tpu.memory_space<vmem>> -> memref<128xi32, #tpu.memory_space<vmem>>
        %dma_start3A_175 = arith.constant 0 : i32
        %dma_start3A_176 = arith.constant 0 : i32
        %dma_start3A_177 = tpu.memref_slice %arg7[%dma_start3A_175, %dma_start3A_176] : memref<4096x128xf32, #tpu.memory_space<hbm>> -> memref<4096x128xf32, #tpu.memory_space<hbm>>
        tpu.enqueue_indirect_dma source(%dma_start3A_177 : memref<4096x128xf32, #tpu.memory_space<hbm>>) target(%arg19 : memref<128x128xf32, #tpu.memory_space<vmem>>) offsets(%dma_start3A_174 : memref<128xi32, #tpu.memory_space<vmem>>) semaphore(%arg28 : memref<!tpu.dma_semaphore, #tpu.memory_space<semaphore_mem>>) {add = true}
        %dma_start3A_178 = arith.constant 3 : i32
        %dma_start3A_179 = arith.constant 0 : i32
        %dma_start3A_180 = tpu.memref_slice %arg13[%dma_start3A_178, %dma_start3A_179] : memref<4x128xi32, #tpu.memory_space<vmem>> -> memref<1x128xi32, #tpu.memory_space<vmem>>
        %dma_start3A_181 = tpu.memref_squeeze %dma_start3A_180 : memref<1x128xi32, #tpu.memory_space<vmem>> -> memref<128xi32, #tpu.memory_space<vmem>>
        %dma_start3A_182 = arith.constant 0 : i32
        %dma_start3A_183 = arith.constant 0 : i32
        %dma_start3A_184 = tpu.memref_slice %arg8[%dma_start3A_182, %dma_start3A_183] : memref<4096x128xf32, #tpu.memory_space<hbm>> -> memref<4096x128xf32, #tpu.memory_space<hbm>>
        tpu.enqueue_indirect_dma source(%dma_start3A_184 : memref<4096x128xf32, #tpu.memory_space<hbm>>) target(%arg19 : memref<128x128xf32, #tpu.memory_space<vmem>>) offsets(%dma_start3A_181 : memref<128xi32, #tpu.memory_space<vmem>>) semaphore(%arg28 : memref<!tpu.dma_semaphore, #tpu.memory_space<semaphore_mem>>) {add = true}
      } else {
      }
      %ge3A_110 = arith.constant 2 : i32
      %ge3A_111 = arith.cmpi sge, %add3A_96, %ge3A_110 : i32
      %le3A_112 = arith.constant 51 : i32
      %le3A_113 = arith.cmpi sle, %add3A_96, %le3A_112 : i32
      %and3A_114 = arith.andi %ge3A_111, %le3A_113 : i1
      %convert_element_type3A_115 = arith.extui %and3A_114 : i1 to i32
      %cond3A_116 = arith.constant 0 : i32
      %cond3A_117 = arith.cmpi ne, %convert_element_type3A_115, %cond3A_116 : i32
      scf.if %cond3A_117 {
        %dma_wait3A_157 = arith.constant 0 : i32
        %dma_wait3A_158 = arith.constant 0 : i32
        %dma_wait3A_159 = tpu.memref_slice %arg12[%dma_wait3A_157, %dma_wait3A_158] : memref<1x128xi32, #tpu.memory_space<vmem>> -> memref<1x128xi32, #tpu.memory_space<vmem>>
        %dma_wait3A_160 = tpu.memref_squeeze %dma_wait3A_159 : memref<1x128xi32, #tpu.memory_space<vmem>> -> memref<128xi32, #tpu.memory_space<vmem>>
        %dma_wait3A_161 = arith.constant 0 : i32
        %dma_wait3A_162 = arith.constant 0 : i32
        %dma_wait3A_163 = tpu.memref_slice %arg4[%dma_wait3A_161, %dma_wait3A_162] : memref<100000x128xf32, #tpu.memory_space<hbm>> -> memref<100000x128xf32, #tpu.memory_space<hbm>>
        tpu.wait_indirect_dma semaphore(%arg30 : memref<!tpu.dma_semaphore, #tpu.memory_space<semaphore_mem>>) src(%dma_wait3A_163 : memref<100000x128xf32, #tpu.memory_space<hbm>>) dst(%arg18 : memref<128x128xf32, #tpu.memory_space<vmem>>)
        %dma_wait3A_164 = arith.constant 1 : i32
        %dma_wait3A_165 = arith.constant 0 : i32
        %dma_wait3A_166 = tpu.memref_slice %arg15[%dma_wait3A_164, %dma_wait3A_165] : memref<4x128xi32, #tpu.memory_space<vmem>> -> memref<1x128xi32, #tpu.memory_space<vmem>>
        %dma_wait3A_167 = tpu.memref_squeeze %dma_wait3A_166 : memref<1x128xi32, #tpu.memory_space<vmem>> -> memref<128xi32, #tpu.memory_space<vmem>>
        %dma_wait3A_168 = arith.constant 0 : i32
        %dma_wait3A_169 = arith.constant 0 : i32
        %dma_wait3A_170 = tpu.memref_slice %arg6[%dma_wait3A_168, %dma_wait3A_169] : memref<512x128xf32, #tpu.memory_space<hbm>> -> memref<512x128xf32, #tpu.memory_space<hbm>>
        tpu.wait_indirect_dma semaphore(%arg30 : memref<!tpu.dma_semaphore, #tpu.memory_space<semaphore_mem>>) src(%dma_wait3A_170 : memref<512x128xf32, #tpu.memory_space<hbm>>) dst(%arg21 : memref<128x128xf32, #tpu.memory_space<vmem>>)
        %dma_wait3A_171 = arith.constant 2 : i32
        %dma_wait3A_172 = arith.constant 0 : i32
        %dma_wait3A_173 = tpu.memref_slice %arg15[%dma_wait3A_171, %dma_wait3A_172] : memref<4x128xi32, #tpu.memory_space<vmem>> -> memref<1x128xi32, #tpu.memory_space<vmem>>
        %dma_wait3A_174 = tpu.memref_squeeze %dma_wait3A_173 : memref<1x128xi32, #tpu.memory_space<vmem>> -> memref<128xi32, #tpu.memory_space<vmem>>
        %dma_wait3A_175 = arith.constant 0 : i32
        %dma_wait3A_176 = arith.constant 0 : i32
        %dma_wait3A_177 = tpu.memref_slice %arg7[%dma_wait3A_175, %dma_wait3A_176] : memref<4096x128xf32, #tpu.memory_space<hbm>> -> memref<4096x128xf32, #tpu.memory_space<hbm>>
        tpu.wait_indirect_dma semaphore(%arg30 : memref<!tpu.dma_semaphore, #tpu.memory_space<semaphore_mem>>) src(%dma_wait3A_177 : memref<4096x128xf32, #tpu.memory_space<hbm>>) dst(%arg21 : memref<128x128xf32, #tpu.memory_space<vmem>>)
        %dma_wait3A_178 = arith.constant 3 : i32
        %dma_wait3A_179 = arith.constant 0 : i32
        %dma_wait3A_180 = tpu.memref_slice %arg15[%dma_wait3A_178, %dma_wait3A_179] : memref<4x128xi32, #tpu.memory_space<vmem>> -> memref<1x128xi32, #tpu.memory_space<vmem>>
        %dma_wait3A_181 = tpu.memref_squeeze %dma_wait3A_180 : memref<1x128xi32, #tpu.memory_space<vmem>> -> memref<128xi32, #tpu.memory_space<vmem>>
        %dma_wait3A_182 = arith.constant 0 : i32
        %dma_wait3A_183 = arith.constant 0 : i32
        %dma_wait3A_184 = tpu.memref_slice %arg8[%dma_wait3A_182, %dma_wait3A_183] : memref<4096x128xf32, #tpu.memory_space<hbm>> -> memref<4096x128xf32, #tpu.memory_space<hbm>>
        tpu.wait_indirect_dma semaphore(%arg30 : memref<!tpu.dma_semaphore, #tpu.memory_space<semaphore_mem>>) src(%dma_wait3A_184 : memref<4096x128xf32, #tpu.memory_space<hbm>>) dst(%arg21 : memref<128x128xf32, #tpu.memory_space<vmem>>)
        %sub3A = arith.constant 2 : i32
        %sub3A_185 = arith.subi %add3A_96, %sub3A : i32
        %dma_start3A_186 = tpu.memref_reshape %arg18 : memref<128x128xf32, #tpu.memory_space<vmem>> -> memref<1x128x128xf32, #tpu.memory_space<vmem>>
        %dma_start3A_187 = arith.constant 0 : i32
        %dma_start3A_188 = tpu.memref_slice %arg9[%sub3A_185, %mul3A_2, %dma_start3A_187] : memref<50x4096x256xf32, #tpu.memory_space<hbm>> -> memref<1x128x128xf32, #tpu.memory_space<hbm>>
        %dma_start3A_189 = arith.constant 0 : i32
        %dma_start3A_190 = tpu.memref_slice %arg9[%sub3A_185, %mul3A_2, %dma_start3A_189] : memref<50x4096x256xf32, #tpu.memory_space<hbm>> -> memref<1x128x128xf32, #tpu.memory_space<hbm>>
        %dma_start3A_191 = tpu.memref_reshape %arg18 : memref<128x128xf32, #tpu.memory_space<vmem>> -> memref<1x128x128xf32, #tpu.memory_space<vmem>>
        tpu.enqueue_dma source(%dma_start3A_191 : memref<1x128x128xf32, #tpu.memory_space<vmem>>) target(%dma_start3A_190 : memref<1x128x128xf32, #tpu.memory_space<hbm>>) target_semaphore(%arg33 : memref<!tpu.dma_semaphore, #tpu.memory_space<semaphore_mem>>)
        %dma_start3A_192 = tpu.memref_reshape %arg21 : memref<128x128xf32, #tpu.memory_space<vmem>> -> memref<1x128x128xf32, #tpu.memory_space<vmem>>
        %dma_start3A_193 = arith.constant 128 : i32
        %dma_start3A_194 = tpu.memref_slice %arg9[%sub3A_185, %mul3A_2, %dma_start3A_193] : memref<50x4096x256xf32, #tpu.memory_space<hbm>> -> memref<1x128x128xf32, #tpu.memory_space<hbm>>
        %dma_start3A_195 = arith.constant 128 : i32
        %dma_start3A_196 = tpu.memref_slice %arg9[%sub3A_185, %mul3A_2, %dma_start3A_195] : memref<50x4096x256xf32, #tpu.memory_space<hbm>> -> memref<1x128x128xf32, #tpu.memory_space<hbm>>
        %dma_start3A_197 = tpu.memref_reshape %arg21 : memref<128x128xf32, #tpu.memory_space<vmem>> -> memref<1x128x128xf32, #tpu.memory_space<vmem>>
        tpu.enqueue_dma source(%dma_start3A_197 : memref<1x128x128xf32, #tpu.memory_space<vmem>>) target(%dma_start3A_196 : memref<1x128x128xf32, #tpu.memory_space<hbm>>) target_semaphore(%arg33 : memref<!tpu.dma_semaphore, #tpu.memory_space<semaphore_mem>>)
      } else {
      }
      %add3A_118 = arith.constant 1 : i32
      %add3A_119 = arith.addi %add3A_96, %add3A_118 : i32
      %le3A_120 = arith.constant 49 : i32
      %le3A_121 = arith.cmpi sle, %add3A_119, %le3A_120 : i32
      %convert_element_type3A_122 = arith.extui %le3A_121 : i1 to i32
      %cond3A_123 = arith.constant 0 : i32
      %cond3A_124 = arith.cmpi ne, %convert_element_type3A_122, %cond3A_123 : i32
      scf.if %cond3A_124 {
        %add3A_157 = arith.constant 1 : i32
        %add3A_158 = arith.addi %add3A_96, %add3A_157 : i32
        %dma_start3A_159 = tpu.memref_slice %arg2[%add3A_158, %mul3A_2] : memref<50x4096xi32, #tpu.memory_space<hbm>> -> memref<1x128xi32, #tpu.memory_space<hbm>>
        %dma_start3A_160 = tpu.memref_slice %arg2[%add3A_158, %mul3A_2] : memref<50x4096xi32, #tpu.memory_space<hbm>> -> memref<1x128xi32, #tpu.memory_space<hbm>>
        tpu.enqueue_dma source(%dma_start3A_160 : memref<1x128xi32, #tpu.memory_space<hbm>>) target(%arg12 : memref<1x128xi32, #tpu.memory_space<vmem>>) target_semaphore(%arg24 : memref<!tpu.dma_semaphore, #tpu.memory_space<semaphore_mem>>)
        %dma_start3A_161 = arith.constant 0 : i32
        %dma_start3A_162 = tpu.memref_slice %arg3[%add3A_158, %dma_start3A_161, %mul3A_2] : memref<50x4x4096xi32, #tpu.memory_space<hbm>> -> memref<1x4x128xi32, #tpu.memory_space<hbm>>
        %dma_start3A_163 = tpu.memref_squeeze %dma_start3A_162 : memref<1x4x128xi32, #tpu.memory_space<hbm>> -> memref<4x128xi32, #tpu.memory_space<hbm>>
        %dma_start3A_164 = arith.constant 0 : i32
        %dma_start3A_165 = tpu.memref_slice %arg3[%add3A_158, %dma_start3A_164, %mul3A_2] : memref<50x4x4096xi32, #tpu.memory_space<hbm>> -> memref<1x4x128xi32, #tpu.memory_space<hbm>>
        %dma_start3A_166 = tpu.memref_squeeze %dma_start3A_165 : memref<1x4x128xi32, #tpu.memory_space<hbm>> -> memref<4x128xi32, #tpu.memory_space<hbm>>
        tpu.enqueue_dma source(%dma_start3A_166 : memref<4x128xi32, #tpu.memory_space<hbm>>) target(%arg15 : memref<4x128xi32, #tpu.memory_space<vmem>>) target_semaphore(%arg24 : memref<!tpu.dma_semaphore, #tpu.memory_space<semaphore_mem>>)
      } else {
      }
      %mul3A_125 = arith.constant 3 : i32
      %mul3A_126 = arith.muli %mul3A_125, %scan3A_65 : i32
      %add3A_127 = arith.constant 2 : i32
      %add3A_128 = arith.addi %mul3A_126, %add3A_127 : i32
      %le3A_129 = arith.constant 49 : i32
      %le3A_130 = arith.cmpi sle, %add3A_128, %le3A_129 : i32
      %convert_element_type3A_131 = arith.extui %le3A_130 : i1 to i32
      %cond3A_132 = arith.constant 0 : i32
      %cond3A_133 = arith.cmpi ne, %convert_element_type3A_131, %cond3A_132 : i32
      scf.if %cond3A_133 {
        %ge3A_157 = arith.constant 3 : i32
        %ge3A_158 = arith.cmpi sge, %add3A_128, %ge3A_157 : i32
        %convert_element_type3A_159 = arith.extui %ge3A_158 : i1 to i32
        %cond3A_160 = arith.constant 0 : i32
        %cond3A_161 = arith.cmpi ne, %convert_element_type3A_159, %cond3A_160 : i32
        scf.if %cond3A_161 {
          %sub3A = arith.constant 3 : i32
          %sub3A_184 = arith.subi %add3A_128, %sub3A : i32
          %dma_wait3A_185 = tpu.memref_reshape %arg18 : memref<128x128xf32, #tpu.memory_space<vmem>> -> memref<1x128x128xf32, #tpu.memory_space<vmem>>
          %dma_wait3A_186 = arith.constant 0 : i32
          %dma_wait3A_187 = tpu.memref_slice %arg9[%sub3A_184, %mul3A_2, %dma_wait3A_186] : memref<50x4096x256xf32, #tpu.memory_space<hbm>> -> memref<1x128x128xf32, #tpu.memory_space<hbm>>
          %dma_wait3A_188 = arith.constant 0 : i32
          %dma_wait3A_189 = tpu.memref_slice %arg9[%sub3A_184, %mul3A_2, %dma_wait3A_188] : memref<50x4096x256xf32, #tpu.memory_space<hbm>> -> memref<1x128x128xf32, #tpu.memory_space<hbm>>
          %dma_wait3A_190 = tpu.memref_reshape %arg18 : memref<128x128xf32, #tpu.memory_space<vmem>> -> memref<1x128x128xf32, #tpu.memory_space<vmem>>
          tpu.wait_dma2 semaphore(%arg33 : memref<!tpu.dma_semaphore, #tpu.memory_space<semaphore_mem>>) src(%dma_wait3A_190 : memref<1x128x128xf32, #tpu.memory_space<vmem>>) dst(%dma_wait3A_189 : memref<1x128x128xf32, #tpu.memory_space<hbm>>)
          %dma_wait3A_191 = tpu.memref_reshape %arg21 : memref<128x128xf32, #tpu.memory_space<vmem>> -> memref<1x128x128xf32, #tpu.memory_space<vmem>>
          %dma_wait3A_192 = arith.constant 128 : i32
          %dma_wait3A_193 = tpu.memref_slice %arg9[%sub3A_184, %mul3A_2, %dma_wait3A_192] : memref<50x4096x256xf32, #tpu.memory_space<hbm>> -> memref<1x128x128xf32, #tpu.memory_space<hbm>>
          %dma_wait3A_194 = arith.constant 128 : i32
          %dma_wait3A_195 = tpu.memref_slice %arg9[%sub3A_184, %mul3A_2, %dma_wait3A_194] : memref<50x4096x256xf32, #tpu.memory_space<hbm>> -> memref<1x128x128xf32, #tpu.memory_space<hbm>>
          %dma_wait3A_196 = tpu.memref_reshape %arg21 : memref<128x128xf32, #tpu.memory_space<vmem>> -> memref<1x128x128xf32, #tpu.memory_space<vmem>>
          tpu.wait_dma2 semaphore(%arg33 : memref<!tpu.dma_semaphore, #tpu.memory_space<semaphore_mem>>) src(%dma_wait3A_196 : memref<1x128x128xf32, #tpu.memory_space<vmem>>) dst(%dma_wait3A_195 : memref<1x128x128xf32, #tpu.memory_space<hbm>>)
        } else {
        }
        %dma_wait3A_162 = tpu.memref_slice %arg2[%add3A_128, %mul3A_2] : memref<50x4096xi32, #tpu.memory_space<hbm>> -> memref<1x128xi32, #tpu.memory_space<hbm>>
        %dma_wait3A_163 = tpu.memref_slice %arg2[%add3A_128, %mul3A_2] : memref<50x4096xi32, #tpu.memory_space<hbm>> -> memref<1x128xi32, #tpu.memory_space<hbm>>
        tpu.wait_dma2 semaphore(%arg24 : memref<!tpu.dma_semaphore, #tpu.memory_space<semaphore_mem>>) src(%dma_wait3A_163 : memref<1x128xi32, #tpu.memory_space<hbm>>) dst(%arg12 : memref<1x128xi32, #tpu.memory_space<vmem>>)
        %dma_wait3A_164 = arith.constant 0 : i32
        %dma_wait3A_165 = tpu.memref_slice %arg3[%add3A_128, %dma_wait3A_164, %mul3A_2] : memref<50x4x4096xi32, #tpu.memory_space<hbm>> -> memref<1x4x128xi32, #tpu.memory_space<hbm>>
        %dma_wait3A_166 = tpu.memref_squeeze %dma_wait3A_165 : memref<1x4x128xi32, #tpu.memory_space<hbm>> -> memref<4x128xi32, #tpu.memory_space<hbm>>
        %dma_wait3A_167 = arith.constant 0 : i32
        %dma_wait3A_168 = tpu.memref_slice %arg3[%add3A_128, %dma_wait3A_167, %mul3A_2] : memref<50x4x4096xi32, #tpu.memory_space<hbm>> -> memref<1x4x128xi32, #tpu.memory_space<hbm>>
        %dma_wait3A_169 = tpu.memref_squeeze %dma_wait3A_168 : memref<1x4x128xi32, #tpu.memory_space<hbm>> -> memref<4x128xi32, #tpu.memory_space<hbm>>
        tpu.wait_dma2 semaphore(%arg24 : memref<!tpu.dma_semaphore, #tpu.memory_space<semaphore_mem>>) src(%dma_wait3A_169 : memref<4x128xi32, #tpu.memory_space<hbm>>) dst(%arg15 : memref<4x128xi32, #tpu.memory_space<vmem>>)
        %dma_start3A_170 = arith.constant 0 : i32
        %dma_start3A_171 = arith.constant 0 : i32
        %dma_start3A_172 = tpu.memref_slice %arg15[%dma_start3A_170, %dma_start3A_171] : memref<4x128xi32, #tpu.memory_space<vmem>> -> memref<1x128xi32, #tpu.memory_space<vmem>>
        %dma_start3A_173 = tpu.memref_squeeze %dma_start3A_172 : memref<1x128xi32, #tpu.memory_space<vmem>> -> memref<128xi32, #tpu.memory_space<vmem>>
        %dma_start3A_174 = arith.constant 0 : i32
        %dma_start3A_175 = arith.constant 0 : i32
        %dma_start3A_176 = tpu.memref_slice %arg5[%dma_start3A_174, %dma_start3A_175] : memref<1024x128xf32, #tpu.memory_space<hbm>> -> memref<1024x128xf32, #tpu.memory_space<hbm>>
        tpu.enqueue_indirect_dma source(%dma_start3A_176 : memref<1024x128xf32, #tpu.memory_space<hbm>>) target(%arg21 : memref<128x128xf32, #tpu.memory_space<vmem>>) offsets(%dma_start3A_173 : memref<128xi32, #tpu.memory_space<vmem>>) semaphore(%arg27 : memref<!tpu.dma_semaphore, #tpu.memory_space<semaphore_mem>>)
        %dma_start3A_177 = arith.constant 0 : i32
        %dma_start3A_178 = arith.constant 0 : i32
        %dma_start3A_179 = tpu.memref_slice %arg12[%dma_start3A_177, %dma_start3A_178] : memref<1x128xi32, #tpu.memory_space<vmem>> -> memref<1x128xi32, #tpu.memory_space<vmem>>
        %dma_start3A_180 = tpu.memref_squeeze %dma_start3A_179 : memref<1x128xi32, #tpu.memory_space<vmem>> -> memref<128xi32, #tpu.memory_space<vmem>>
        %dma_start3A_181 = arith.constant 0 : i32
        %dma_start3A_182 = arith.constant 0 : i32
        %dma_start3A_183 = tpu.memref_slice %arg4[%dma_start3A_181, %dma_start3A_182] : memref<100000x128xf32, #tpu.memory_space<hbm>> -> memref<100000x128xf32, #tpu.memory_space<hbm>>
        tpu.enqueue_indirect_dma source(%dma_start3A_183 : memref<100000x128xf32, #tpu.memory_space<hbm>>) target(%arg18 : memref<128x128xf32, #tpu.memory_space<vmem>>) offsets(%dma_start3A_180 : memref<128xi32, #tpu.memory_space<vmem>>) semaphore(%arg30 : memref<!tpu.dma_semaphore, #tpu.memory_space<semaphore_mem>>)
      } else {
      }
      %ge3A_134 = arith.constant 1 : i32
      %ge3A_135 = arith.cmpi sge, %add3A_128, %ge3A_134 : i32
      %le3A_136 = arith.constant 50 : i32
      %le3A_137 = arith.cmpi sle, %add3A_128, %le3A_136 : i32
      %and3A_138 = arith.andi %ge3A_135, %le3A_137 : i1
      %convert_element_type3A_139 = arith.extui %and3A_138 : i1 to i32
      %cond3A_140 = arith.constant 0 : i32
      %cond3A_141 = arith.cmpi ne, %convert_element_type3A_139, %cond3A_140 : i32
      scf.if %cond3A_141 {
        %dma_wait3A_157 = arith.constant 0 : i32
        %dma_wait3A_158 = arith.constant 0 : i32
        %dma_wait3A_159 = tpu.memref_slice %arg14[%dma_wait3A_157, %dma_wait3A_158] : memref<4x128xi32, #tpu.memory_space<vmem>> -> memref<1x128xi32, #tpu.memory_space<vmem>>
        %dma_wait3A_160 = tpu.memref_squeeze %dma_wait3A_159 : memref<1x128xi32, #tpu.memory_space<vmem>> -> memref<128xi32, #tpu.memory_space<vmem>>
        %dma_wait3A_161 = arith.constant 0 : i32
        %dma_wait3A_162 = arith.constant 0 : i32
        %dma_wait3A_163 = tpu.memref_slice %arg5[%dma_wait3A_161, %dma_wait3A_162] : memref<1024x128xf32, #tpu.memory_space<hbm>> -> memref<1024x128xf32, #tpu.memory_space<hbm>>
        tpu.wait_indirect_dma semaphore(%arg26 : memref<!tpu.dma_semaphore, #tpu.memory_space<semaphore_mem>>) src(%dma_wait3A_163 : memref<1024x128xf32, #tpu.memory_space<hbm>>) dst(%arg20 : memref<128x128xf32, #tpu.memory_space<vmem>>)
        %dma_start3A_164 = arith.constant 1 : i32
        %dma_start3A_165 = arith.constant 0 : i32
        %dma_start3A_166 = tpu.memref_slice %arg14[%dma_start3A_164, %dma_start3A_165] : memref<4x128xi32, #tpu.memory_space<vmem>> -> memref<1x128xi32, #tpu.memory_space<vmem>>
        %dma_start3A_167 = tpu.memref_squeeze %dma_start3A_166 : memref<1x128xi32, #tpu.memory_space<vmem>> -> memref<128xi32, #tpu.memory_space<vmem>>
        %dma_start3A_168 = arith.constant 0 : i32
        %dma_start3A_169 = arith.constant 0 : i32
        %dma_start3A_170 = tpu.memref_slice %arg6[%dma_start3A_168, %dma_start3A_169] : memref<512x128xf32, #tpu.memory_space<hbm>> -> memref<512x128xf32, #tpu.memory_space<hbm>>
        tpu.enqueue_indirect_dma source(%dma_start3A_170 : memref<512x128xf32, #tpu.memory_space<hbm>>) target(%arg20 : memref<128x128xf32, #tpu.memory_space<vmem>>) offsets(%dma_start3A_167 : memref<128xi32, #tpu.memory_space<vmem>>) semaphore(%arg29 : memref<!tpu.dma_semaphore, #tpu.memory_space<semaphore_mem>>) {add = true}
        %dma_start3A_171 = arith.constant 2 : i32
        %dma_start3A_172 = arith.constant 0 : i32
        %dma_start3A_173 = tpu.memref_slice %arg14[%dma_start3A_171, %dma_start3A_172] : memref<4x128xi32, #tpu.memory_space<vmem>> -> memref<1x128xi32, #tpu.memory_space<vmem>>
        %dma_start3A_174 = tpu.memref_squeeze %dma_start3A_173 : memref<1x128xi32, #tpu.memory_space<vmem>> -> memref<128xi32, #tpu.memory_space<vmem>>
        %dma_start3A_175 = arith.constant 0 : i32
        %dma_start3A_176 = arith.constant 0 : i32
        %dma_start3A_177 = tpu.memref_slice %arg7[%dma_start3A_175, %dma_start3A_176] : memref<4096x128xf32, #tpu.memory_space<hbm>> -> memref<4096x128xf32, #tpu.memory_space<hbm>>
        tpu.enqueue_indirect_dma source(%dma_start3A_177 : memref<4096x128xf32, #tpu.memory_space<hbm>>) target(%arg20 : memref<128x128xf32, #tpu.memory_space<vmem>>) offsets(%dma_start3A_174 : memref<128xi32, #tpu.memory_space<vmem>>) semaphore(%arg29 : memref<!tpu.dma_semaphore, #tpu.memory_space<semaphore_mem>>) {add = true}
        %dma_start3A_178 = arith.constant 3 : i32
        %dma_start3A_179 = arith.constant 0 : i32
        %dma_start3A_180 = tpu.memref_slice %arg14[%dma_start3A_178, %dma_start3A_179] : memref<4x128xi32, #tpu.memory_space<vmem>> -> memref<1x128xi32, #tpu.memory_space<vmem>>
        %dma_start3A_181 = tpu.memref_squeeze %dma_start3A_180 : memref<1x128xi32, #tpu.memory_space<vmem>> -> memref<128xi32, #tpu.memory_space<vmem>>
        %dma_start3A_182 = arith.constant 0 : i32
        %dma_start3A_183 = arith.constant 0 : i32
        %dma_start3A_184 = tpu.memref_slice %arg8[%dma_start3A_182, %dma_start3A_183] : memref<4096x128xf32, #tpu.memory_space<hbm>> -> memref<4096x128xf32, #tpu.memory_space<hbm>>
        tpu.enqueue_indirect_dma source(%dma_start3A_184 : memref<4096x128xf32, #tpu.memory_space<hbm>>) target(%arg20 : memref<128x128xf32, #tpu.memory_space<vmem>>) offsets(%dma_start3A_181 : memref<128xi32, #tpu.memory_space<vmem>>) semaphore(%arg29 : memref<!tpu.dma_semaphore, #tpu.memory_space<semaphore_mem>>) {add = true}
      } else {
      }
      %ge3A_142 = arith.constant 2 : i32
      %ge3A_143 = arith.cmpi sge, %add3A_128, %ge3A_142 : i32
      %le3A_144 = arith.constant 51 : i32
      %le3A_145 = arith.cmpi sle, %add3A_128, %le3A_144 : i32
      %and3A_146 = arith.andi %ge3A_143, %le3A_145 : i1
      %convert_element_type3A_147 = arith.extui %and3A_146 : i1 to i32
      %cond3A_148 = arith.constant 0 : i32
      %cond3A_149 = arith.cmpi ne, %convert_element_type3A_147, %cond3A_148 : i32
      scf.if %cond3A_149 {
        %dma_wait3A_157 = arith.constant 0 : i32
        %dma_wait3A_158 = arith.constant 0 : i32
        %dma_wait3A_159 = tpu.memref_slice %arg10[%dma_wait3A_157, %dma_wait3A_158] : memref<1x128xi32, #tpu.memory_space<vmem>> -> memref<1x128xi32, #tpu.memory_space<vmem>>
        %dma_wait3A_160 = tpu.memref_squeeze %dma_wait3A_159 : memref<1x128xi32, #tpu.memory_space<vmem>> -> memref<128xi32, #tpu.memory_space<vmem>>
        %dma_wait3A_161 = arith.constant 0 : i32
        %dma_wait3A_162 = arith.constant 0 : i32
        %dma_wait3A_163 = tpu.memref_slice %arg4[%dma_wait3A_161, %dma_wait3A_162] : memref<100000x128xf32, #tpu.memory_space<hbm>> -> memref<100000x128xf32, #tpu.memory_space<hbm>>
        tpu.wait_indirect_dma semaphore(%arg28 : memref<!tpu.dma_semaphore, #tpu.memory_space<semaphore_mem>>) src(%dma_wait3A_163 : memref<100000x128xf32, #tpu.memory_space<hbm>>) dst(%arg16 : memref<128x128xf32, #tpu.memory_space<vmem>>)
        %dma_wait3A_164 = arith.constant 1 : i32
        %dma_wait3A_165 = arith.constant 0 : i32
        %dma_wait3A_166 = tpu.memref_slice %arg13[%dma_wait3A_164, %dma_wait3A_165] : memref<4x128xi32, #tpu.memory_space<vmem>> -> memref<1x128xi32, #tpu.memory_space<vmem>>
        %dma_wait3A_167 = tpu.memref_squeeze %dma_wait3A_166 : memref<1x128xi32, #tpu.memory_space<vmem>> -> memref<128xi32, #tpu.memory_space<vmem>>
        %dma_wait3A_168 = arith.constant 0 : i32
        %dma_wait3A_169 = arith.constant 0 : i32
        %dma_wait3A_170 = tpu.memref_slice %arg6[%dma_wait3A_168, %dma_wait3A_169] : memref<512x128xf32, #tpu.memory_space<hbm>> -> memref<512x128xf32, #tpu.memory_space<hbm>>
        tpu.wait_indirect_dma semaphore(%arg28 : memref<!tpu.dma_semaphore, #tpu.memory_space<semaphore_mem>>) src(%dma_wait3A_170 : memref<512x128xf32, #tpu.memory_space<hbm>>) dst(%arg19 : memref<128x128xf32, #tpu.memory_space<vmem>>)
        %dma_wait3A_171 = arith.constant 2 : i32
        %dma_wait3A_172 = arith.constant 0 : i32
        %dma_wait3A_173 = tpu.memref_slice %arg13[%dma_wait3A_171, %dma_wait3A_172] : memref<4x128xi32, #tpu.memory_space<vmem>> -> memref<1x128xi32, #tpu.memory_space<vmem>>
        %dma_wait3A_174 = tpu.memref_squeeze %dma_wait3A_173 : memref<1x128xi32, #tpu.memory_space<vmem>> -> memref<128xi32, #tpu.memory_space<vmem>>
        %dma_wait3A_175 = arith.constant 0 : i32
        %dma_wait3A_176 = arith.constant 0 : i32
        %dma_wait3A_177 = tpu.memref_slice %arg7[%dma_wait3A_175, %dma_wait3A_176] : memref<4096x128xf32, #tpu.memory_space<hbm>> -> memref<4096x128xf32, #tpu.memory_space<hbm>>
        tpu.wait_indirect_dma semaphore(%arg28 : memref<!tpu.dma_semaphore, #tpu.memory_space<semaphore_mem>>) src(%dma_wait3A_177 : memref<4096x128xf32, #tpu.memory_space<hbm>>) dst(%arg19 : memref<128x128xf32, #tpu.memory_space<vmem>>)
        %dma_wait3A_178 = arith.constant 3 : i32
        %dma_wait3A_179 = arith.constant 0 : i32
        %dma_wait3A_180 = tpu.memref_slice %arg13[%dma_wait3A_178, %dma_wait3A_179] : memref<4x128xi32, #tpu.memory_space<vmem>> -> memref<1x128xi32, #tpu.memory_space<vmem>>
        %dma_wait3A_181 = tpu.memref_squeeze %dma_wait3A_180 : memref<1x128xi32, #tpu.memory_space<vmem>> -> memref<128xi32, #tpu.memory_space<vmem>>
        %dma_wait3A_182 = arith.constant 0 : i32
        %dma_wait3A_183 = arith.constant 0 : i32
        %dma_wait3A_184 = tpu.memref_slice %arg8[%dma_wait3A_182, %dma_wait3A_183] : memref<4096x128xf32, #tpu.memory_space<hbm>> -> memref<4096x128xf32, #tpu.memory_space<hbm>>
        tpu.wait_indirect_dma semaphore(%arg28 : memref<!tpu.dma_semaphore, #tpu.memory_space<semaphore_mem>>) src(%dma_wait3A_184 : memref<4096x128xf32, #tpu.memory_space<hbm>>) dst(%arg19 : memref<128x128xf32, #tpu.memory_space<vmem>>)
        %sub3A = arith.constant 2 : i32
        %sub3A_185 = arith.subi %add3A_128, %sub3A : i32
        %dma_start3A_186 = tpu.memref_reshape %arg16 : memref<128x128xf32, #tpu.memory_space<vmem>> -> memref<1x128x128xf32, #tpu.memory_space<vmem>>
        %dma_start3A_187 = arith.constant 0 : i32
        %dma_start3A_188 = tpu.memref_slice %arg9[%sub3A_185, %mul3A_2, %dma_start3A_187] : memref<50x4096x256xf32, #tpu.memory_space<hbm>> -> memref<1x128x128xf32, #tpu.memory_space<hbm>>
        %dma_start3A_189 = arith.constant 0 : i32
        %dma_start3A_190 = tpu.memref_slice %arg9[%sub3A_185, %mul3A_2, %dma_start3A_189] : memref<50x4096x256xf32, #tpu.memory_space<hbm>> -> memref<1x128x128xf32, #tpu.memory_space<hbm>>
        %dma_start3A_191 = tpu.memref_reshape %arg16 : memref<128x128xf32, #tpu.memory_space<vmem>> -> memref<1x128x128xf32, #tpu.memory_space<vmem>>
        tpu.enqueue_dma source(%dma_start3A_191 : memref<1x128x128xf32, #tpu.memory_space<vmem>>) target(%dma_start3A_190 : memref<1x128x128xf32, #tpu.memory_space<hbm>>) target_semaphore(%arg31 : memref<!tpu.dma_semaphore, #tpu.memory_space<semaphore_mem>>)
        %dma_start3A_192 = tpu.memref_reshape %arg19 : memref<128x128xf32, #tpu.memory_space<vmem>> -> memref<1x128x128xf32, #tpu.memory_space<vmem>>
        %dma_start3A_193 = arith.constant 128 : i32
        %dma_start3A_194 = tpu.memref_slice %arg9[%sub3A_185, %mul3A_2, %dma_start3A_193] : memref<50x4096x256xf32, #tpu.memory_space<hbm>> -> memref<1x128x128xf32, #tpu.memory_space<hbm>>
        %dma_start3A_195 = arith.constant 128 : i32
        %dma_start3A_196 = tpu.memref_slice %arg9[%sub3A_185, %mul3A_2, %dma_start3A_195] : memref<50x4096x256xf32, #tpu.memory_space<hbm>> -> memref<1x128x128xf32, #tpu.memory_space<hbm>>
        %dma_start3A_197 = tpu.memref_reshape %arg19 : memref<128x128xf32, #tpu.memory_space<vmem>> -> memref<1x128x128xf32, #tpu.memory_space<vmem>>
        tpu.enqueue_dma source(%dma_start3A_197 : memref<1x128x128xf32, #tpu.memory_space<vmem>>) target(%dma_start3A_196 : memref<1x128x128xf32, #tpu.memory_space<hbm>>) target_semaphore(%arg31 : memref<!tpu.dma_semaphore, #tpu.memory_space<semaphore_mem>>)
      } else {
      }
      %add3A_150 = arith.constant 1 : i32
      %add3A_151 = arith.addi %add3A_128, %add3A_150 : i32
      %le3A_152 = arith.constant 49 : i32
      %le3A_153 = arith.cmpi sle, %add3A_151, %le3A_152 : i32
      %convert_element_type3A_154 = arith.extui %le3A_153 : i1 to i32
      %cond3A_155 = arith.constant 0 : i32
      %cond3A_156 = arith.cmpi ne, %convert_element_type3A_154, %cond3A_155 : i32
      scf.if %cond3A_156 {
        %add3A_157 = arith.constant 1 : i32
        %add3A_158 = arith.addi %add3A_128, %add3A_157 : i32
        %dma_start3A_159 = tpu.memref_slice %arg2[%add3A_158, %mul3A_2] : memref<50x4096xi32, #tpu.memory_space<hbm>> -> memref<1x128xi32, #tpu.memory_space<hbm>>
        %dma_start3A_160 = tpu.memref_slice %arg2[%add3A_158, %mul3A_2] : memref<50x4096xi32, #tpu.memory_space<hbm>> -> memref<1x128xi32, #tpu.memory_space<hbm>>
        tpu.enqueue_dma source(%dma_start3A_160 : memref<1x128xi32, #tpu.memory_space<hbm>>) target(%arg10 : memref<1x128xi32, #tpu.memory_space<vmem>>) target_semaphore(%arg22 : memref<!tpu.dma_semaphore, #tpu.memory_space<semaphore_mem>>)
        %dma_start3A_161 = arith.constant 0 : i32
        %dma_start3A_162 = tpu.memref_slice %arg3[%add3A_158, %dma_start3A_161, %mul3A_2] : memref<50x4x4096xi32, #tpu.memory_space<hbm>> -> memref<1x4x128xi32, #tpu.memory_space<hbm>>
        %dma_start3A_163 = tpu.memref_squeeze %dma_start3A_162 : memref<1x4x128xi32, #tpu.memory_space<hbm>> -> memref<4x128xi32, #tpu.memory_space<hbm>>
        %dma_start3A_164 = arith.constant 0 : i32
        %dma_start3A_165 = tpu.memref_slice %arg3[%add3A_158, %dma_start3A_164, %mul3A_2] : memref<50x4x4096xi32, #tpu.memory_space<hbm>> -> memref<1x4x128xi32, #tpu.memory_space<hbm>>
        %dma_start3A_166 = tpu.memref_squeeze %dma_start3A_165 : memref<1x4x128xi32, #tpu.memory_space<hbm>> -> memref<4x128xi32, #tpu.memory_space<hbm>>
        tpu.enqueue_dma source(%dma_start3A_166 : memref<4x128xi32, #tpu.memory_space<hbm>>) target(%arg13 : memref<4x128xi32, #tpu.memory_space<vmem>>) target_semaphore(%arg22 : memref<!tpu.dma_semaphore, #tpu.memory_space<semaphore_mem>>)
      } else {
      }
    }
    %scan3A_17 = arith.constant 18 : i32
    %dma_wait3A = tpu.memref_reshape %arg18 : memref<128x128xf32, #tpu.memory_space<vmem>> -> memref<1x128x128xf32, #tpu.memory_space<vmem>>
    %dma_wait3A_18 = arith.constant 47 : i32
    %dma_wait3A_19 = arith.constant 0 : i32
    %dma_wait3A_20 = tpu.memref_slice %arg9[%dma_wait3A_18, %mul3A_2, %dma_wait3A_19] : memref<50x4096x256xf32, #tpu.memory_space<hbm>> -> memref<1x128x128xf32, #tpu.memory_space<hbm>>
    %dma_wait3A_21 = arith.constant 47 : i32
    %dma_wait3A_22 = arith.constant 0 : i32
    %dma_wait3A_23 = tpu.memref_slice %arg9[%dma_wait3A_21, %mul3A_2, %dma_wait3A_22] : memref<50x4096x256xf32, #tpu.memory_space<hbm>> -> memref<1x128x128xf32, #tpu.memory_space<hbm>>
    %dma_wait3A_24 = tpu.memref_reshape %arg18 : memref<128x128xf32, #tpu.memory_space<vmem>> -> memref<1x128x128xf32, #tpu.memory_space<vmem>>
    tpu.wait_dma2 semaphore(%arg33 : memref<!tpu.dma_semaphore, #tpu.memory_space<semaphore_mem>>) src(%dma_wait3A_24 : memref<1x128x128xf32, #tpu.memory_space<vmem>>) dst(%dma_wait3A_23 : memref<1x128x128xf32, #tpu.memory_space<hbm>>)
    %dma_wait3A_25 = tpu.memref_reshape %arg21 : memref<128x128xf32, #tpu.memory_space<vmem>> -> memref<1x128x128xf32, #tpu.memory_space<vmem>>
    %dma_wait3A_26 = arith.constant 47 : i32
    %dma_wait3A_27 = arith.constant 128 : i32
    %dma_wait3A_28 = tpu.memref_slice %arg9[%dma_wait3A_26, %mul3A_2, %dma_wait3A_27] : memref<50x4096x256xf32, #tpu.memory_space<hbm>> -> memref<1x128x128xf32, #tpu.memory_space<hbm>>
    %dma_wait3A_29 = arith.constant 47 : i32
    %dma_wait3A_30 = arith.constant 128 : i32
    %dma_wait3A_31 = tpu.memref_slice %arg9[%dma_wait3A_29, %mul3A_2, %dma_wait3A_30] : memref<50x4096x256xf32, #tpu.memory_space<hbm>> -> memref<1x128x128xf32, #tpu.memory_space<hbm>>
    %dma_wait3A_32 = tpu.memref_reshape %arg21 : memref<128x128xf32, #tpu.memory_space<vmem>> -> memref<1x128x128xf32, #tpu.memory_space<vmem>>
    tpu.wait_dma2 semaphore(%arg33 : memref<!tpu.dma_semaphore, #tpu.memory_space<semaphore_mem>>) src(%dma_wait3A_32 : memref<1x128x128xf32, #tpu.memory_space<vmem>>) dst(%dma_wait3A_31 : memref<1x128x128xf32, #tpu.memory_space<hbm>>)
    %dma_wait3A_33 = tpu.memref_reshape %arg16 : memref<128x128xf32, #tpu.memory_space<vmem>> -> memref<1x128x128xf32, #tpu.memory_space<vmem>>
    %dma_wait3A_34 = arith.constant 48 : i32
    %dma_wait3A_35 = arith.constant 0 : i32
    %dma_wait3A_36 = tpu.memref_slice %arg9[%dma_wait3A_34, %mul3A_2, %dma_wait3A_35] : memref<50x4096x256xf32, #tpu.memory_space<hbm>> -> memref<1x128x128xf32, #tpu.memory_space<hbm>>
    %dma_wait3A_37 = arith.constant 48 : i32
    %dma_wait3A_38 = arith.constant 0 : i32
    %dma_wait3A_39 = tpu.memref_slice %arg9[%dma_wait3A_37, %mul3A_2, %dma_wait3A_38] : memref<50x4096x256xf32, #tpu.memory_space<hbm>> -> memref<1x128x128xf32, #tpu.memory_space<hbm>>
    %dma_wait3A_40 = tpu.memref_reshape %arg16 : memref<128x128xf32, #tpu.memory_space<vmem>> -> memref<1x128x128xf32, #tpu.memory_space<vmem>>
    tpu.wait_dma2 semaphore(%arg31 : memref<!tpu.dma_semaphore, #tpu.memory_space<semaphore_mem>>) src(%dma_wait3A_40 : memref<1x128x128xf32, #tpu.memory_space<vmem>>) dst(%dma_wait3A_39 : memref<1x128x128xf32, #tpu.memory_space<hbm>>)
    %dma_wait3A_41 = tpu.memref_reshape %arg19 : memref<128x128xf32, #tpu.memory_space<vmem>> -> memref<1x128x128xf32, #tpu.memory_space<vmem>>
    %dma_wait3A_42 = arith.constant 48 : i32
    %dma_wait3A_43 = arith.constant 128 : i32
    %dma_wait3A_44 = tpu.memref_slice %arg9[%dma_wait3A_42, %mul3A_2, %dma_wait3A_43] : memref<50x4096x256xf32, #tpu.memory_space<hbm>> -> memref<1x128x128xf32, #tpu.memory_space<hbm>>
    %dma_wait3A_45 = arith.constant 48 : i32
    %dma_wait3A_46 = arith.constant 128 : i32
    %dma_wait3A_47 = tpu.memref_slice %arg9[%dma_wait3A_45, %mul3A_2, %dma_wait3A_46] : memref<50x4096x256xf32, #tpu.memory_space<hbm>> -> memref<1x128x128xf32, #tpu.memory_space<hbm>>
    %dma_wait3A_48 = tpu.memref_reshape %arg19 : memref<128x128xf32, #tpu.memory_space<vmem>> -> memref<1x128x128xf32, #tpu.memory_space<vmem>>
    tpu.wait_dma2 semaphore(%arg31 : memref<!tpu.dma_semaphore, #tpu.memory_space<semaphore_mem>>) src(%dma_wait3A_48 : memref<1x128x128xf32, #tpu.memory_space<vmem>>) dst(%dma_wait3A_47 : memref<1x128x128xf32, #tpu.memory_space<hbm>>)
    %dma_wait3A_49 = tpu.memref_reshape %arg17 : memref<128x128xf32, #tpu.memory_space<vmem>> -> memref<1x128x128xf32, #tpu.memory_space<vmem>>
    %dma_wait3A_50 = arith.constant 49 : i32
    %dma_wait3A_51 = arith.constant 0 : i32
    %dma_wait3A_52 = tpu.memref_slice %arg9[%dma_wait3A_50, %mul3A_2, %dma_wait3A_51] : memref<50x4096x256xf32, #tpu.memory_space<hbm>> -> memref<1x128x128xf32, #tpu.memory_space<hbm>>
    %dma_wait3A_53 = arith.constant 49 : i32
    %dma_wait3A_54 = arith.constant 0 : i32
    %dma_wait3A_55 = tpu.memref_slice %arg9[%dma_wait3A_53, %mul3A_2, %dma_wait3A_54] : memref<50x4096x256xf32, #tpu.memory_space<hbm>> -> memref<1x128x128xf32, #tpu.memory_space<hbm>>
    %dma_wait3A_56 = tpu.memref_reshape %arg17 : memref<128x128xf32, #tpu.memory_space<vmem>> -> memref<1x128x128xf32, #tpu.memory_space<vmem>>
    tpu.wait_dma2 semaphore(%arg32 : memref<!tpu.dma_semaphore, #tpu.memory_space<semaphore_mem>>) src(%dma_wait3A_56 : memref<1x128x128xf32, #tpu.memory_space<vmem>>) dst(%dma_wait3A_55 : memref<1x128x128xf32, #tpu.memory_space<hbm>>)
    %dma_wait3A_57 = tpu.memref_reshape %arg20 : memref<128x128xf32, #tpu.memory_space<vmem>> -> memref<1x128x128xf32, #tpu.memory_space<vmem>>
    %dma_wait3A_58 = arith.constant 49 : i32
    %dma_wait3A_59 = arith.constant 128 : i32
    %dma_wait3A_60 = tpu.memref_slice %arg9[%dma_wait3A_58, %mul3A_2, %dma_wait3A_59] : memref<50x4096x256xf32, #tpu.memory_space<hbm>> -> memref<1x128x128xf32, #tpu.memory_space<hbm>>
    %dma_wait3A_61 = arith.constant 49 : i32
    %dma_wait3A_62 = arith.constant 128 : i32
    %dma_wait3A_63 = tpu.memref_slice %arg9[%dma_wait3A_61, %mul3A_2, %dma_wait3A_62] : memref<50x4096x256xf32, #tpu.memory_space<hbm>> -> memref<1x128x128xf32, #tpu.memory_space<hbm>>
    %dma_wait3A_64 = tpu.memref_reshape %arg20 : memref<128x128xf32, #tpu.memory_space<vmem>> -> memref<1x128x128xf32, #tpu.memory_space<vmem>>
    tpu.wait_dma2 semaphore(%arg32 : memref<!tpu.dma_semaphore, #tpu.memory_space<semaphore_mem>>) src(%dma_wait3A_64 : memref<1x128x128xf32, #tpu.memory_space<vmem>>) dst(%dma_wait3A_63 : memref<1x128x128xf32, #tpu.memory_space<hbm>>)
    return
  }
}

</mosaic_0001>

<sc_bundles>
// kernel: _embed.3.cloned.1.call-start
scs
__scs_entry_jumppad:
0x0: {  	(pc) =	sbr.rel $0x88, $3  }
0x1: {  	(tag) =	ssettag $0x0;
	lr =	simm.s32 $0x1  }
0x2: {  	[smem:$0x3F9A] =	sst lr;
	_ =	strace $0xD0000000  }
0x3: {  	_ = 	snop  }
0x4: {  	_ = 	snop  }
0x5: {  	_ = 	snop  }
0x6: {  	_ = 	snop  }
0x7: {  	_ = 	snop  }
__scs_overlays_trampoline_lowered:
0x8: {  	[smem:$0x3FA9] =	sst s0  }
0x9: {  	[smem:$0x3FAA] =	sst s1  }
0xa: {  	[smem:$0x3FAB] =	sst s2  }
0xb: {  	[smem:$0x3FAC] =	sst s3  }
0xc: {  	[smem:$0x3FAD] =	sst s4  }
0xd: {  	[smem:$0x3FAE] =	sst s5  }
0xe: {  	[smem:$0x3FAF] =	sst s6  }
0xf: {  	[smem:$0x3FB0] =	sst s7  }
0x10: {  	[smem:$0x3FB1] =	sst s8  }
0x11: {  	[smem:$0x3FB2] =	sst s9;
	s0 =	simm.s32 @!p0 $0x0  }
0x12: {  	s1 =	sld [smem:$0x3F98];
	s0 =	simm.s32 @p0 $0x1  }
0x13: {  	[smem:$0x3FB3] =	sst s0;
	s0 =	simm.s32 @!p1 $0x0  }
0x14: {  	s2 =	sld [smem:$0x3F97];
	s0 =	simm.s32 @p1 $0x1  }
0x15: {  	[smem:$0x3FB4] =	sst s0;
	s0 =	simm.s32 @!p2 $0x0  }
0x16: {  	s3 =	sld [smem:$0x3FDB];
	s0 =	simm.s32 @p2 $0x1  }
0x17: {  	s4 =	simm.s32 $0x1BF5;
	[smem:$0x3FB6] =	sst s0  }
0x18: {  	s0 =	sld [smem:$0x3F99];
	_ =	swait.ge [sflag:s4], $0x0  }
0x19: {  	s7 =	sld [smem:$0x3F9A]  }
0x1a: {  	s8 =	sadd.s32 $0xFFFFE003, lr  }
0x1b: {  	s9 =	sadd.s32 $0xFFFFFEF7, lr;
	s5 =	simm.s32 $0xFFFFFFFF;
	p2 =	slt.u32 s8, $0xFFFFF086  }
0x1c: {  	p1 =	slt.u32 s9, $0xF7A;
	s5 =	simm.s32 @!p2 $0x0  }
0x1d: {  	s5 =	simm.s32 @p1 $0x1;
	p0 =	seq.s32 s7, s2  }
0x1e: {  	s7 =	smul.u32 @!p0 $0xF7A, s2;
	p2 =	seq.s32 @!p0 s5, $0x0  }
0x1f: {  	s9 =	smul.u32 $0xF7A, s1;
	s8 =	simm.s32 @!p0 $0x1BF5;
	p2 =	por !p2, p0  }
0x20: {  	[sflag:s8] =	ssyncset.s32 @!p0 $0xFFFFF086;
	s6 =	sadd.s32 @!p0 s3, s7;
	s7 =	simm.s32 @!p0 $0x108  }
0x21: {  	s3 =	sadd.s32 s3, s9;
	s6 =	sadd.s32 @!p0 $0x88, s6;
	s7 =	simm.s32 @p2 $0x1082  }
0x22: {  	[simem:s7], [sflag:s8] =	dma.local @!p0 [hbm:s6], $0xF7A  }
0x23: {  	s9 =	sor.u32 $0xD0000000, s2;
	s6 =	simm.s32 $0x108;
	_ =	swait.ge @!p0 [sflag:s8], $0x0  }
0x24: {  	s3 =	sadd.s32 $0x88, s3;
	s6 =	simm.s32 @!p1 $0x1082;
	[sflag:s4] =	ssyncset.s32 $0xFFFFF086  }
0x25: {  	[simem:s6], [sflag:s4] =	dma.local [hbm:s3], $0xF7A  }
0x26: {  	[smem:$0x3F9A] =	sst s1;
	(tag) =	ssettag s2;
	_ =	strace s9  }
0x27: {  	s1 =	sld [smem:$0x3FAA]  }
0x28: {  	s2 =	sld [smem:$0x3FAB]  }
0x29: {  	s4 =	sld [smem:$0x3FAD]  }
0x2a: {  	p0 =	seq.s32 s5, $0x0;
	s5 =	sld [smem:$0x3FAE]  }
0x2b: {  	s6 =	sld [smem:$0x3FAF]  }
0x2c: {  	s7 =	sld [smem:$0x3FB0]  }
0x2d: {  	s3 =	simm.s32 $0x108;
	s8 =	sld [smem:$0x3FB1]  }
0x2e: {  	s3 =	simm.s32 @!p0 $0x1082;
	s9 =	sld [smem:$0x3FB2]  }
0x2f: {  	lr =	sadd.s32 s0, s3;
	s0 =	sld [smem:$0x3FA9]  }
0x30: {  	s3 =	sld [smem:$0x3FAC]  }
0x31: {  	[smem:$0x3FB5] =	sst s10  }
0x32: {  	s10 =	sld [smem:$0x3FB3];
	_ =	sdelay $0x3  }
0x33: {  	p0 =	seq.s32 s10, $0x1;
	s10 =	sld [smem:$0x3FB5];
	_ =	sdelay $0x3  }
0x34: {  	[smem:$0x3FB5] =	sst s10  }
0x35: {  	s10 =	sld [smem:$0x3FB4];
	_ =	sdelay $0x3  }
0x36: {  	p1 =	seq.s32 s10, $0x1;
	s10 =	sld [smem:$0x3FB5];
	_ =	sdelay $0x3  }
0x37: {  	[smem:$0x3FB5] =	sst s10  }
0x38: {  	s10 =	sld [smem:$0x3FB6]  }
0x39: {  	_ = 	snop;
	(pc) =	sbr.ind lr, $3  }
0x3a: {  	_ = 	snop  }
0x3b: {  	_ = 	snop  }
0x3c: {  	p2 =	seq.s32 s10, $0x1;
	s10 =	sld [smem:$0x3FB5]  }
0x3d: {  	_ =	shalt  }
0x3e: {  	_ =	shalt  }
0x3f: {  	_ =	shalt  }
0x40: {  	_ =	shalt  }
0x41: {  	_ =	shalt  }
0x42: {  	_ =	shalt  }
0x43: {  	_ =	shalt  }
0x44: {  	_ =	shalt  }
0x45: {  	_ =	shalt  }
0x46: {  	_ =	shalt  }
0x47: {  	_ =	shalt  }
0x48: {  	_ =	shalt  }
0x49: {  	_ =	shalt  }
0x4a: {  	_ =	shalt  }
0x4b: {  	_ =	shalt  }
0x4c: {  	_ =	shalt  }
0x4d: {  	_ =	shalt  }
0x4e: {  	_ =	shalt  }
0x4f: {  	_ =	shalt  }
0x50: {  	_ =	shalt  }
0x51: {  	_ =	shalt  }
0x52: {  	_ =	shalt  }
0x53: {  	_ =	shalt  }
0x54: {  	_ =	shalt  }
0x55: {  	_ =	shalt  }
0x56: {  	_ =	shalt  }
0x57: {  	_ =	shalt  }
0x58: {  	_ =	shalt  }
0x59: {  	_ =	shalt  }
0x5a: {  	_ =	shalt  }
0x5b: {  	_ =	shalt  }
0x5c: {  	_ =	shalt  }
0x5d: {  	_ =	shalt  }
0x5e: {  	_ =	shalt  }
0x5f: {  	_ =	shalt  }
0x60: {  	_ =	shalt  }
0x61: {  	_ =	shalt  }
0x62: {  	_ =	shalt  }
0x63: {  	_ =	shalt  }
0x64: {  	_ =	shalt  }
0x65: {  	_ =	shalt  }
0x66: {  	_ =	shalt  }
0x67: {  	_ =	shalt  }
0x68: {  	_ =	shalt  }
0x69: {  	_ =	shalt  }
0x6a: {  	_ =	shalt  }
0x6b: {  	_ =	shalt  }
0x6c: {  	_ =	shalt  }
0x6d: {  	_ =	shalt  }
0x6e: {  	_ =	shalt  }
0x6f: {  	_ =	shalt  }
0x70: {  	_ =	shalt  }
0x71: {  	_ =	shalt  }
0x72: {  	_ =	shalt  }
0x73: {  	_ =	shalt  }
0x74: {  	_ =	shalt  }
0x75: {  	_ =	shalt  }
0x76: {  	_ =	shalt  }
0x77: {  	_ =	shalt  }
0x78: {  	_ =	shalt  }
0x79: {  	_ =	shalt  }
0x7a: {  	_ =	shalt  }
0x7b: {  	_ =	shalt  }
0x7c: {  	_ =	shalt  }
0x7d: {  	_ =	shalt  }
0x7e: {  	_ =	shalt  }
0x7f: {  	_ =	shalt  }
0x80: {  	_ =	shalt  }
0x81: {  	_ =	shalt  }
0x82: {  	_ =	shalt  }
0x83: {  	_ =	shalt  }
0x84: {  	_ =	shalt  }
0x85: {  	_ =	shalt  }
0x86: {  	_ =	shalt  }
0x87: {  	_ =	shalt  }
.Lfunc_end0:
.L_simem_size_0:
called_computation_lowered:
.L_overlay_start_0:
0x88: {  	s2 =	sld [smem:$0x3FD9]  }
0x89: {  	s3 =	sld [smem:$0x3FFE];
	_ =	sdelay $0x1  }
0x8a: {  	s1 =	srdreg.scid  }
0x8b: {  	s0 =	sand.u32 $0x1, s1  }
0x8c: {  	s18 =	sshll.u32 s0, $0xA;
	s2 =	sadd.s32 s3, s2  }
0x8d: {  	s2 =	sadd.s32 s2, s18  }
0x8e: {  	[smem:$0x3FC1] =	sst s2  }
0x8f: {  	_ = 	snop  }
0x90: {  	s2 =	sld [smem:$0x3FC9]  }
0x91: {  	s19 =	sld [smem:$0x3FC8]  }
0x92: {  	s4 =	sld [smem:$0x3FC7]  }
0x93: {  	s5 =	sld [smem:$0x3FC6]  }
0x94: {  	s6 =	sld [smem:$0x3FC5]  }
0x95: {  	s7 =	sld [smem:$0x3FC4]  }
0x96: {  	s8 =	sld [smem:$0x3FC3]  }
0x97: {  	s9 =	sld [smem:$0x3FD0];
	(tm) =	ssettm $0x1  }
0x98: {  	s10 =	sld [smem:$0x3FFB];
	_ =	sdelay $0x3  }
0x99: {  	_ =	strace s10  }
0x9a: {  	s10 =	sld [smem:$0x3FFC];
	_ =	sdelay $0x3  }
0x9b: {  	_ =	strace s10  }
0x9c: {  	s10 =	sld [smem:$0x3FFD];
	_ =	sdelay $0x3  }
0x9d: {  	_ =	strace s10  }
0x9e: {  	_ =	strace $0x8FFFFFFF  }
0x9f: {  	s20 =	sld [smem:$0x3FDB];
	_ =	sdelay $0x1  }
0xa0: {  	s11 =	simm.s32 $_scs_section_size  }
0xa1: {  	s12 =	simm.s32 $_size__tile_overlayer_lowered;
	s13 =	simm.s32 $_tile_overlayer_lowered  }
0xa2: {  	s23 =	simm.s32 $0x1BFF;
	s22 =	sshll.u32 s13, $0x1;
	s10 =	sadd.s32 s11, s20  }
0xa3: {  	s14 =	simm.s32 $0x0;
	s21 =	sshll.u32 s12, $0x1;
	s12 =	sadd.s32 s22, s10  }
0xa4: {  	[timem:s14], [sflag:s23] =	dma.local [hbm:s12], s21  }
0xa5: {  	_ =	swait.ge [sflag:s23], s21  }
0xa6: {  	s11 =	ssub.s32 $0x0, s21;
	[sflag:s23] =	ssyncset.done $0x0  }
0xa7: {  	[sflag:s23] =	ssyncadd.s32 s11;
	_ =	sdelay $0x1  }
0xa8: {  	s24 =	simm.s32 $0x1B8B  }
0xa9: {  	_ =	swait.ge [sflag:s24], $0x1  }
0xaa: {  	[sflag:s24] =	ssyncset.done $0x0  }
0xab: {  	s25 =	simm.s32 $0x1B8E;
	[sflag:s24] =	ssyncadd.s32 $0xFFFFFFFF  }
0xac: {  	s26 =	simm.s32 $execute0_lowered;
	[smem:$0x3FD2] =	sst s25  }
0xad: {  	s11 =	sshll.u32 s26, $0x1;
	_ =	strace $0x80000046;
	[dreg:$0x1] =	wrdreg $0xFFFFFFFF  }
0xae: {  	s28 =	simm.s32 $_size_execute0_lowered;
	s10 =	sadd.s32 s10, s11;
	[dreg:$0x0] =	wrdreg $0x0  }
0xaf: {  	s11 =	sshll.u32 s28, $0x1;
	[dreg:$0x2] =	wrdreg s10  }
0xb0: {  	[dreg:$0x3] =	wrdreg s11  }
0xb1: {  	[dreg:$0x4] =	wrdreg $0xC0  }
0xb2: {  	_ =	task [dreg:s14], $0x5FFFF  }
0xb3: {  	[dreg:$0x1] =	wrdreg $0xFFFFFFFF  }
0xb4: {  	[dreg:$0x0] =	wrdreg $0x60  }
0xb5: {  	[dreg:$0x2] =	wrdreg s2  }
0xb6: {  	[dreg:$0x3] =	wrdreg s19  }
0xb7: {  	[dreg:$0x4] =	wrdreg s4  }
0xb8: {  	[dreg:$0x5] =	wrdreg s5  }
0xb9: {  	[dreg:$0x6] =	wrdreg s6  }
0xba: {  	[dreg:$0x7] =	wrdreg s7  }
0xbb: {  	[dreg:$0x8] =	wrdreg s8  }
0xbc: {  	[dreg:$0x9] =	wrdreg s9  }
0xbd: {  	[dreg:$0xa] =	wrdreg $0x9  }
0xbe: {  	_ =	task.clear_ibuf [dreg:s14], $0xBFFFF;
	_ =	strace $0x90000046  }
0xbf: {  	s29 =	simm.s32 $0x9;
	_ =	strace $0x80000048  }
0xc0: {  	_ =	swait.ge [sflag:s29], $0x1  }
0xc1: {  	[sflag:s29] =	ssyncadd.s32 $0xFFFFFFFF  }
0xc2: {  	_ =	strace $0x90000048  }
0xc3: {  	_ =	sfence  }
0xc4: {  	s30 =	sld [smem:$0x0];
	_ =	sdelay $0x2  }
0xc5: {  	s31 =	sshll.u32 s1, $0xD;
	s1 =	sshrl.u32 s1, $0x2  }
0xc6: {  	s3 =	sand.u32 $0x4000, s31;
	s1 =	sadd.s32 s1, s30  }
0xc7: {  	s0 =	sor.u32 s3, s0;
	s1 =	sshll.u32 s1, $0x11  }
0xc8: {  	s0 =	sor.u32 s1, s0  }
0xc9: {  	s0 =	sadd.s32 $0x8F2B, s0  }
0xca: {  	[sflag:s0] =	ssyncadd.remote.s32 $0x1  }
0xcb: {  	_ =	sfence.sel $0xFFFF  }
0xcc: {  	[dreg:$0x0] =	wrdreg $0xFFFFFFFF;
	(pc) =	sbr.abs _section_cstart, $3  }
0xcd: {  	[dreg:$0x1] =	wrdreg $0xFFFFFFFF  }
0xce: {  	_ =	task.clear_ibuf [dreg:s14], $0x2FFFF;
	_ =	strace $0x9FFFFFFF  }
0xcf: {  	(tm) =	ssettm $0x7FFFFFFF  }
tec
execute0_lowered:
.L_overlay_start_1:
0x0: {  	(tag) =	ssettag $0x1  }
0x1: {  	s0 =	rddreg [dreg:$0x0]  }
0x2: {  	s7 =	rddreg [dreg:$0x1]  }
0x3: {  	s23 =	rddreg [dreg:$0x2]  }
0x4: {  	s3 =	rddreg [dreg:$0x3]  }
0x5: {  	s4 =	rddreg [dreg:$0x4]  }
0x6: {  	s6 =	rddreg [dreg:$0x6]  }
0x7: {  	s9 =	rddreg [dreg:$0x7];
	s2 =	simm.s32 $0x0  }
0x8: {  	s1 =	srdreg.scid;
	s13 =	stileid.u32;
	s29 =	simm.s32 $0x10780  }
0x9: {  	s16 =	simm.s32 $0x7;
	s5 =	simm.s32 $0x0;
	[smem:$0x7FF] =	sst s2  }
0xa: {  	s1 =	sand.u32 $0x1, s1;
	s10 =	sshll.u32 s13, $0x8;
	s19 =	sshll.u32 s13, $0x10  }
0xb: {  	s21 =	sshll.u32 s13, $0xA;
	s13 =	simm.s32 $0x5;
	s8 =	ssub.s32 $0x2, s1  }
0xc: {  	s11 =	sshll.u32 s1, $0x7;
	_ =	strace $0x80000047;
	s20 =	sshll.u32 s1, $0xF  }
0xd: {  	s1 =	sshll.u32 s1, $0x9;
	s12 =	sshrl.u32 s8, $0x1;
	s11 =	sor.u32 s11, s10  }
0xe: {  	s1 =	sor.u32 s1, s21;
	s21 =	simm.s32 $0x80;
	s8 =	ssub.s32 s8, s12  }
0xf: {  	s10 =	sadd.s32 s0, s11;
	s18 =	sshrl.u32 s11, $0x1;
	s12 =	sadd.s32 $0x80, s9  }
0x10: {  	s26 =	sor.u32 $0x8000, s1;
	s30 =	sor.u32 $0x4000, s1;
	s1 =	sor.u32 $0xC000, s1  }
0x11: {  	s0 =	sadd.s32 s7, s18;
	s24 =	smax.u32 s8, $0x1;
	[dreg:$0xd] =	wrdreg s1  }
0x12: {  	s28 =	sshrl.u32 s26, $0x3;
	s31 =	sshrl.u32 s30, $0x3;
	[dreg:$0x9] =	wrdreg s0  }
0x13: {  	s26 =	simm.s32 $0x800;
	s0 =	sor.u32 s20, s19;
	[dreg:$0xa] =	wrdreg s24  }
.Ltmp0:
0x14: {  	s22 =	sshrl.u32 s0, $0x3;
	s0 =	sor.u32 $0xFFF00000, s0;
	(pc) =	sbr.rel .LBB2_1-.Ltmp0, $4  }
0x15: {  	s1 =	simm.s32 $0x3;
	s25 =	sadd.s32 s22, s12;
	[dreg:$0xc] =	wrdreg s0  }
0x16: {  	s18 =	simm.s32 $0xA;
	s0 =	sadd.s32 s28, s7;
	[dreg:$0xb] =	wrdreg s25  }
0x17: {  	s20 =	simm.s32 $0x1;
	[dreg:$0xe] =	wrdreg s0;
	s0 =	sadd.s32 s31, s7  }
0x18: {  	s24 =	simm.s32 $0x8;
	s25 =	simm.s32 $0x400;
	[dreg:$0xf] =	wrdreg s0  }
.LBB2_11:
0x19: {  	s0 =	simm.s32 $0xC  }
0x1a: {  	_ =	swait.ge [sflag:s0], $0x4000  }
0x1b: {  	[sflag:s0] =	ssyncset.done $0x0  }
0x1c: {  	[sflag:s0] =	ssyncadd.s32 $0xFFFFC000  }
0x1d: {  	_ =	swait.ge [sflag:s0], $0x4000  }
0x1e: {  	[sflag:s0] =	ssyncset.done $0x0  }
0x1f: {  	[sflag:s0] =	ssyncadd.s32 $0xFFFFC000  }
0x20: {  	_ =	swait.ge [sflag:s18], $0x4000  }
0x21: {  	[sflag:s18] =	ssyncset.done $0x0  }
0x22: {  	[sflag:s18] =	ssyncadd.s32 $0xFFFFC000  }
0x23: {  	_ =	swait.ge [sflag:s18], $0x4000  }
0x24: {  	[sflag:s18] =	ssyncset.done $0x0  }
0x25: {  	s2 =	simm.s32 $0xB;
	[sflag:s18] =	ssyncadd.s32 $0xFFFFC000  }
0x26: {  	_ =	swait.ge [sflag:s2], $0x4000  }
0x27: {  	[sflag:s2] =	ssyncset.done $0x0  }
0x28: {  	[sflag:s2] =	ssyncadd.s32 $0xFFFFC000  }
0x29: {  	_ =	swait.ge [sflag:s2], $0x4000  }
0x2a: {  	s5 =	rddreg [dreg:$0x10]  }
0x2b: {  	s31 =	rddreg [dreg:$0xa];
	s5 =	sadd.s32 $0x1, s5  }
0x2c: {  	p0 =	sne.s32 s5, s31  }
.Ltmp1:
0x2d: {  	_ = 	snop;
	(pc) =	sbr.rel @!p0 .LBB2_12-.Ltmp1, $3  }
0x2e: {  	_ =	sdelay $0x1  }
0x2f: {  	[sflag:s2] =	ssyncset.done $0x0  }
0x30: {  	[sflag:s2] =	ssyncadd.s32 $0xFFFFC000  }
.LBB2_1:
0x31: {  	[dreg:$0x10] =	wrdreg s5  }
0x32: {  	s22 =	rddreg [dreg:$0x9]  }
0x33: {  	s17 =	rddreg [dreg:$0xf]  }
0x34: {  	s0 =	simm.s32 $0x0;
	s2 =	simm.s32 $0x0;
	s19 =	rddreg [dreg:$0xe]  }
.Ltmp2:
0x35: {  	s7 =	simm.s32 $0x180;
	s30 =	rddreg [dreg:$0xc];
	(pc) =	sbr.rel .LBB2_2-.Ltmp2, $4  }
0x36: {  	[tilespmem:s0], [sflag:$0x1] =	stream.linear.gather [hbm4b:s10+s0], $0x80, $0x38;
	[tilespmem:$0x18780] =	vst v63  }
0x37: {  	s8 =	simm.s32 $0x600;
	s11 =	simm.s32 $0xFFFFFFFE;
	s31 =	rddreg [dreg:$0xb]  }
0x38: {  	[tilespmem:s7], [sflag:$0x1] =	stream.linear.gather [hbm4b:s22+s0], $0x200, $0x38;
	[tilespmem:$0x18780] =	vst v63  }
0x39: {  	s28 =	simm.s32 $0x30;
	s14 =	simm.s32 $0x0;
	s0 =	rddreg [dreg:$0xd]  }
.LBB2_8:
0x3a: {  	s7 =	sadd.s32 $0xFFFFFFF0, s28;
	s9 =	sadd.s32 $0xFFFFFE00, s8  }
0x3b: {  	s7 =	sand.u32 $0x70, s7;
	s9 =	sand.u32 $0xF000, s9  }
0x3c: {  	s23 =	simm.s32 $0x0;
	s7 =	sor.u32 s7, s9  }
0x3d: {  	s15 =	simm.s32 $0x100;
	p1 =	seq.s32 s8, $0x600;
	s7 =	sadd.s32 s7, s10  }
0x3e: {  	[tilespmem:s15], [sflag:$0x3] =	stream.linear.gather [hbm4b:s7+s23], $0x80, $0x38;
	[tilespmem:$0x18780] =	vst v63  }
0x3f: {  	s22 =	simm.s32 $0x580;
	s7 =	simm.s32 @!p1 $0xC  }
0x40: {  	[tilespmem:s22], [sflag:$0x3] =	stream.linear.gather [hbm4b:s19+s23], $0x200, $0x38;
	[tilespmem:$0x18780] =	vst v63  }
0x41: {  	_ =	swait.ge @!p1 [sflag:s7], $0x4000  }
0x42: {  	[sflag:s7] =	ssyncset.done @!p1 $0x0  }
0x43: {  	[sflag:s7] =	ssyncadd.s32 @!p1 $0xFFFFC000  }
0x44: {  	_ =	swait.ge @!p1 [sflag:s7], $0x4000  }
0x45: {  	[sflag:s7] =	ssyncset.done @!p1 $0x0  }
0x46: {  	[sflag:s7] =	ssyncadd.s32 @!p1 $0xFFFFC000  }
0x47: {  	_ =	swait.ge [sflag:s1], $0x80  }
0x48: {  	[sflag:s1] =	ssyncset.done $0x0  }
0x49: {  	[sflag:s1] =	ssyncadd.s32 $0xFFFFFF80  }
0x4a: {  	_ =	swait.ge [sflag:s1], $0x200  }
0x4b: {  	[sflag:s1] =	ssyncset.done $0x0  }
0x4c: {  	s9 =	simm.s32 $0x14780;
	[sflag:s1] =	ssyncadd.s32 $0xFFFFFE00  }
0x4d: {  	[tilespmem:s9], [sflag:$0x6] =	stream.indirect.gather [hbm4b:s4+s21], $0x80, s22, s21, $0xb8;
	[tilespmem:$0x18780] =	vst v63  }
0x4e: {  	s2 =	simm.s32 $0x0;
	s23 =	simm.s32 $0x8780  }
0x4f: {  	[tilespmem:s23], [sflag:$0x9] =	stream.indirect.gather [hbm4b:s3+s21], $0x80, s15, s21, $0xb8;
	[tilespmem:$0x18780] =	vst v63  }
0x50: {  	s23 =	smov.u32 s3;
	s3 =	smov.u32 s4;
	s4 =	smov.u32 s5  }
.LBB2_10:
0x51: {  	_ =	swait.ge [sflag:s13], $0x4000  }
0x52: {  	[sflag:s13] =	ssyncset.done $0x0  }
0x53: {  	[sflag:s13] =	ssyncadd.s32 $0xFFFFC000  }
0x54: {  	[tilespmem:s29], [sflag:$0x8] =	stream.indirect.gather.add.f32 [hbm:s4], $0x80, s25, s21, $0xb8;
	[tilespmem:$0x18780] =	vst v63  }
0x55: {  	s7 =	simm.s32 $0x480;
	s5 =	rddreg [dreg:$0x5]  }
0x56: {  	[tilespmem:s29], [sflag:$0x8] =	stream.indirect.gather.add.f32 [hbm:s5], $0x80, s7, s21, $0xb8;
	[tilespmem:$0x18780] =	vst v63  }
0x57: {  	s7 =	simm.s32 $0x500  }
0x58: {  	[tilespmem:s29], [sflag:$0x8] =	stream.indirect.gather.add.f32 [hbm:s6], $0x80, s7, s21, $0xb8;
	[tilespmem:$0x18780] =	vst v63  }
0x59: {  	_ =	swait.ge [sflag:s16], $0x4000  }
0x5a: {  	[sflag:s16] =	ssyncset.done $0x0  }
0x5b: {  	[sflag:s16] =	ssyncadd.s32 $0xFFFFC000  }
0x5c: {  	_ =	swait.ge [sflag:s16], $0x4000  }
0x5d: {  	[sflag:s16] =	ssyncset.done $0x0  }
0x5e: {  	[sflag:s16] =	ssyncadd.s32 $0xFFFFC000  }
0x5f: {  	_ =	swait.ge [sflag:s16], $0x4000  }
0x60: {  	[sflag:s16] =	ssyncset.done $0x0  }
0x61: {  	[sflag:s16] =	ssyncadd.s32 $0xFFFFC000  }
0x62: {  	_ =	swait.ge [sflag:s16], $0x4000  }
0x63: {  	[sflag:s16] =	ssyncset.done $0x0  }
0x64: {  	s9 =	sadd.s32 $0xFFFFFF80, s31;
	s15 =	simm.s32 $0x780;
	[sflag:s16] =	ssyncadd.s32 $0xFFFFC000  }
0x65: {  	[hbm4b:s9+s25] =	stream.strided.scatter [tilespmem:s15], [sflag:$0xA], $0x4000, s26, s25, $0x38;
	[tilespmem:$0x18780] =	vst v63  }
0x66: {  	s7 =	sand.u32 @!p0 $0xF000, s8;
	s9 =	sand.u32 @!p0 $0x70, s28  }
0x67: {  	s22 =	simm.s32 $0xC780;
	s7 =	sor.u32 @!p0 s9, s7  }
0x68: {  	[hbm4b:s31+s25] =	stream.strided.scatter [tilespmem:s22], [sflag:$0xA], $0x4000, s26, s25, $0x38;
	[tilespmem:$0x18780] =	vst v63  }
0x69: {  	s9 =	simm.s32 @!p0 $0x0;
	s7 =	sadd.s32 @!p0 s7, s10  }
0x6a: {  	[tilespmem:s9], [sflag:$0x1] =	stream.linear.gather @!p0 [hbm4b:s7+s9], $0x80, $0x38;
	[tilespmem:$0x18780] =	vst v63  }
0x6b: {  	s15 =	rddreg [dreg:$0x1];
	s7 =	sshrl.u32 @!p0 s0, $0x3  }
0x6c: {  	s8 =	sadd.s32 $0x600, s8;
	s7 =	sadd.s32 @!p0 s15, s7;
	s15 =	simm.s32 @!p0 $0x180  }
0x6d: {  	[tilespmem:s15], [sflag:$0x1] =	stream.linear.gather @!p0 [hbm4b:s7+s9], $0x200, $0x38;
	[tilespmem:$0x18780] =	vst v63  }
0x6e: {  	p0 =	sne.s32 s8, $0x7200  }
.Ltmp3:
0x6f: {  	_ = 	snop;
	(pc) =	sbr.rel @!p0 .LBB2_11-.Ltmp3, $4  }
0x70: {  	_ = 	snop  }
0x71: {  	s14 =	sadd.s32 $0x1, s14;
	s30 =	sadd.s32 $0x300000, s30  }
0x72: {  	s11 =	sadd.s32 $0x3, s11;
	s19 =	sadd.s32 $0x1800, s19;
	s17 =	sadd.s32 $0x1800, s17  }
0x73: {  	s28 =	sadd.s32 $0x30, s28;
	s31 =	sadd.s32 $0x60000, s31;
	s0 =	sadd.s32 $0xC000, s0  }
.LBB2_2:
0x74: {  	p0 =	seq.s32 s14, $0x0  }
.Ltmp4:
0x75: {  	_ = 	snop;
	(pc) =	sbr.rel @p0 .LBB2_5-.Ltmp4, $1  }
0x76: {  	_ =	sdelay $0x3  }
0x77: {  	p1 =	seq.s32 s14, $0x11  }
.Ltmp5:
0x78: {  	_ = 	snop;
	(pc) =	sbr.rel @p1 .LBB2_6-.Ltmp5, $2  }
0x79: {  	_ =	sdelay $0x2  }
0x7a: {  	p0 =	por $0x0, $0x0  }
0x7b: {  	_ =	swait.ge [sflag:s18], $0x4000  }
0x7c: {  	[sflag:s18] =	ssyncset.done $0x0  }
0x7d: {  	[sflag:s18] =	ssyncadd.s32 $0xFFFFC000  }
0x7e: {  	_ =	swait.ge [sflag:s18], $0x4000  }
0x7f: {  	[sflag:s18] =	ssyncset.done $0x0  }
0x80: {  	[sflag:s18] =	ssyncadd.s32 $0xFFFFC000  }
.LBB2_5:
0x81: {  	_ =	swait.ge [sflag:s20], $0x80  }
0x82: {  	[sflag:s20] =	ssyncset.done $0x0  }
0x83: {  	[sflag:s20] =	ssyncadd.s32 $0xFFFFFF80  }
0x84: {  	_ =	swait.ge [sflag:s20], $0x200  }
0x85: {  	s5 =	simm.s32 $0x180;
	s15 =	sadd.s32 $0x1, s11;
	[sflag:s20] =	ssyncset.done $0x0  }
0x86: {  	s7 =	simm.s32 $0xC780;
	p0 =	sgt.u32 s15, $0x31;
	[sflag:s20] =	ssyncadd.s32 $0xFFFFFE00  }
0x87: {  	[tilespmem:s7], [sflag:$0x4] =	stream.indirect.gather [hbm4b:s3+s21], $0x80, s5, s21, $0xb8;
	[tilespmem:$0x18780] =	vst v63  }
0x88: {  	s22 =	simm.s32 $0x780;
	s7 =	simm.s32 @!p0 $0x6  }
0x89: {  	[tilespmem:s22], [sflag:$0x7] =	stream.indirect.gather [hbm4b:s23+s21], $0x80, s2, s21, $0xb8;
	[tilespmem:$0x18780] =	vst v63  }
0x8a: {  	_ =	swait.ge @!p0 [sflag:s7], $0x4000  }
0x8b: {  	p1 =	sgt.u32 s11, $0x31;
	s9 =	simm.s32 @!p0 $0x600;
	[sflag:s7] =	ssyncset.done @!p0 $0x0  }
0x8c: {  	s22 =	simm.s32 @!p0 $0x14780;
	[sflag:s7] =	ssyncadd.s32 @!p0 $0xFFFFC000;
	s7 =	simm.s32 @!p0 $0x80  }
0x8d: {  	[tilespmem:s22], [sflag:$0x9] =	stream.indirect.gather.add.f32 @!p0 [hbm:s4], $0x80, s9, s7, $0xb8;
	[tilespmem:$0x18780] =	vst v63  }
.Ltmp6:
0x8e: {  	s9 =	simm.s32 @!p0 $0x680;
	s5 =	rddreg [dreg:$0x5];
	(pc) =	sbr.rel @p1 .LBB2_7-.Ltmp6, $4  }
0x8f: {  	[tilespmem:s22], [sflag:$0x9] =	stream.indirect.gather.add.f32 @!p0 [hbm:s5], $0x80, s9, s7, $0xb8;
	[tilespmem:$0x18780] =	vst v63  }
0x90: {  	s9 =	simm.s32 @!p0 $0x700  }
0x91: {  	[tilespmem:s22], [sflag:$0x9] =	stream.indirect.gather.add.f32 @!p0 [hbm:s6], $0x80, s9, s7, $0xb8;
	[tilespmem:$0x18780] =	vst v63  }
0x92: {  	p0 =	slt.u32 s15, $0x32  }
.LBB2_6:
0x93: {  	_ =	swait.ge [sflag:s24], $0x4000  }
0x94: {  	[sflag:s24] =	ssyncset.done $0x0  }
0x95: {  	[sflag:s24] =	ssyncadd.s32 $0xFFFFC000  }
0x96: {  	_ =	swait.ge [sflag:s24], $0x4000  }
0x97: {  	[sflag:s24] =	ssyncset.done $0x0  }
0x98: {  	[sflag:s24] =	ssyncadd.s32 $0xFFFFC000  }
0x99: {  	_ =	swait.ge [sflag:s24], $0x4000  }
0x9a: {  	[sflag:s24] =	ssyncset.done $0x0  }
0x9b: {  	[sflag:s24] =	ssyncadd.s32 $0xFFFFC000  }
0x9c: {  	_ =	swait.ge [sflag:s24], $0x4000  }
0x9d: {  	[sflag:s24] =	ssyncset.done $0x0  }
0x9e: {  	s7 =	sadd.s32 $0xFFF00000, s30;
	[sflag:s24] =	ssyncadd.s32 $0xFFFFC000  }
0x9f: {  	s7 =	sshrl.u32 s7, $0x3;
	s9 =	rddreg [dreg:$0x7]  }
0xa0: {  	s5 =	simm.s32 $0x4780;
	s9 =	sadd.s32 s9, s7  }
0xa1: {  	[hbm4b:s9+s25] =	stream.strided.scatter [tilespmem:s5], [sflag:$0xB], $0x4000, s26, s25, $0x38;
	[tilespmem:$0x18780] =	vst v63  }
0xa2: {  	s7 =	sadd.s32 s7, s12  }
0xa3: {  	[hbm4b:s7+s25] =	stream.strided.scatter [tilespmem:s29], [sflag:$0xB], $0x4000, s26, s25, $0x38;
	[tilespmem:$0x18780] =	vst v63  }
.LBB2_7:
0xa4: {  	p1 =	seq.s32 s8, $0x6C00  }
0xa5: {  	s7 =	sadd.s32 @!p1 $0xFFFFFFE0, s28;
	s9 =	sadd.s32 @!p1 $0xFFFFFC00, s8  }
0xa6: {  	s7 =	sand.u32 @!p1 $0x70, s7;
	s9 =	sand.u32 @!p1 $0x1F000, s9  }
0xa7: {  	s15 =	simm.s32 @!p1 $0x80;
	s7 =	sor.u32 @!p1 s7, s9  }
0xa8: {  	p2 =	seq.s32 @!p1 s8, $0x600;
	s9 =	simm.s32 @!p1 $0x0;
	s7 =	sadd.s32 @!p1 s7, s10  }
0xa9: {  	[tilespmem:s15], [sflag:$0x2] =	stream.linear.gather @!p1 [hbm4b:s7+s9], $0x80, $0x38;
	[tilespmem:$0x18780] =	vst v63  }
0xaa: {  	p2 =	por p2, p1;
	s7 =	simm.s32 @!p1 $0x380  }
0xab: {  	[tilespmem:s7], [sflag:$0x2] =	stream.linear.gather @!p1 [hbm4b:s17+s9], $0x200, $0x38;
	[tilespmem:$0x18780] =	vst v63  }
0xac: {  	s9 =	simm.s32 @!p2 $0xB  }
0xad: {  	_ =	swait.ge @!p2 [sflag:s9], $0x4000  }
0xae: {  	[sflag:s9] =	ssyncset.done @!p2 $0x0  }
0xaf: {  	[sflag:s9] =	ssyncadd.s32 @!p2 $0xFFFFC000  }
0xb0: {  	_ =	swait.ge @!p2 [sflag:s9], $0x4000  }
0xb1: {  	[sflag:s9] =	ssyncset.done @!p2 $0x0  }
0xb2: {  	[sflag:s9] =	ssyncadd.s32 @!p2 $0xFFFFC000;
	s9 =	simm.s32 @!p1 $0x2  }
0xb3: {  	_ =	swait.ge @!p1 [sflag:s9], $0x80  }
0xb4: {  	[sflag:s9] =	ssyncset.done @!p1 $0x0  }
0xb5: {  	[sflag:s9] =	ssyncadd.s32 @!p1 $0xFFFFFF80  }
0xb6: {  	_ =	swait.ge @!p1 [sflag:s9], $0x200  }
0xb7: {  	[sflag:s9] =	ssyncset.done @!p1 $0x0  }
0xb8: {  	[sflag:s9] =	ssyncadd.s32 @!p1 $0xFFFFFE00;
	s9 =	simm.s32 @!p1 $0x10780  }
0xb9: {  	[tilespmem:s9], [sflag:$0x5] =	stream.indirect.gather @!p1 [hbm4b:s3+s15], $0x80, s7, s15, $0xb8;
	[tilespmem:$0x18780] =	vst v63  }
0xba: {  	s7 =	simm.s32 @!p1 $0x4780  }
0xbb: {  	[tilespmem:s7], [sflag:$0x8] =	stream.indirect.gather @!p1 [hbm4b:s23+s15], $0x80, s15, s15, $0xb8;
	[tilespmem:$0x18780] =	vst v63  }
0xbc: {  	s7 =	simm.s32 @!p1 $0x4  }
0xbd: {  	_ =	swait.ge @!p1 [sflag:s7], $0x4000  }
0xbe: {  	[sflag:s7] =	ssyncset.done @!p1 $0x0  }
0xbf: {  	s9 =	simm.s32 @!p1 $0xC780;
	[sflag:s7] =	ssyncadd.s32 @!p1 $0xFFFFC000;
	s7 =	simm.s32 @!p1 $0x200  }
0xc0: {  	[tilespmem:s9], [sflag:$0x7] =	stream.indirect.gather.add.f32 @!p1 [hbm:s4], $0x80, s7, s15, $0xb8;
	[tilespmem:$0x18780] =	vst v63  }
0xc1: {  	s5 =	smov.u32 s4;
	s7 =	simm.s32 @!p1 $0x280;
	s4 =	rddreg [dreg:$0x5]  }
0xc2: {  	[tilespmem:s9], [sflag:$0x7] =	stream.indirect.gather.add.f32 @!p1 [hbm:s4], $0x80, s7, s15, $0xb8;
	[tilespmem:$0x18780] =	vst v63  }
0xc3: {  	s7 =	simm.s32 @!p1 $0x300  }
0xc4: {  	[tilespmem:s9], [sflag:$0x7] =	stream.indirect.gather.add.f32 @!p1 [hbm:s6], $0x80, s7, s15, $0xb8;
	[tilespmem:$0x18780] =	vst v63  }
0xc5: {  	s7 =	simm.s32 @p0 $0x9  }
0xc6: {  	_ =	swait.ge @p0 [sflag:s7], $0x4000  }
0xc7: {  	[sflag:s7] =	ssyncset.done @p0 $0x0  }
0xc8: {  	[sflag:s7] =	ssyncadd.s32 @p0 $0xFFFFC000  }
0xc9: {  	_ =	swait.ge @p0 [sflag:s7], $0x4000  }
0xca: {  	[sflag:s7] =	ssyncset.done @p0 $0x0  }
0xcb: {  	[sflag:s7] =	ssyncadd.s32 @p0 $0xFFFFC000  }
0xcc: {  	_ =	swait.ge @p0 [sflag:s7], $0x4000  }
0xcd: {  	[sflag:s7] =	ssyncset.done @p0 $0x0  }
0xce: {  	[sflag:s7] =	ssyncadd.s32 @p0 $0xFFFFC000  }
0xcf: {  	_ =	swait.ge @p0 [sflag:s7], $0x4000  }
0xd0: {  	[sflag:s7] =	ssyncset.done @p0 $0x0  }
0xd1: {  	s22 =	simm.s32 @p0 $0x800;
	s4 =	smov.u32 s3;
	[sflag:s7] =	ssyncadd.s32 @p0 $0xFFFFC000  }
0xd2: {  	s3 =	smov.u32 s23;
	s9 =	sshrl.u32 @p0 s30, $0x3;
	s7 =	rddreg [dreg:$0x7]  }
0xd3: {  	s23 =	simm.s32 @p0 $0x8780;
	s15 =	simm.s32 @p0 $0x400;
	s7 =	sadd.s32 @p0 s7, s9  }
0xd4: {  	[hbm4b:s7+s15] =	stream.strided.scatter @p0 [tilespmem:s23], [sflag:$0xC], $0x4000, s22, s15, $0x38;
	[tilespmem:$0x18780] =	vst v63  }
0xd5: {  	s7 =	sadd.s32 @p0 s9, s12;
	s9 =	simm.s32 @p0 $0x14780  }
0xd6: {  	[hbm4b:s7+s15] =	stream.strided.scatter @p0 [tilespmem:s9], [sflag:$0xC], $0x4000, s22, s15, $0x38;
	[tilespmem:$0x18780] =	vst v63  }
0xd7: {  	p0 =	sgt.u32 s14, $0xF  }
.Ltmp7:
0xd8: {  	_ = 	snop;
	(pc) =	sbr.rel @!p0 .LBB2_8-.Ltmp7, $1  }
0xd9: {  	_ =	sdelay $0x3  }
.Ltmp8:
0xda: {  	(pc) =	sbr.rel @!p1 .LBB2_10-.Ltmp8, $4  }
.Ltmp9:
0xdb: {  	(pc) =	sbr.rel @p1 .LBB2_11-.Ltmp9, $4  }
0xdc: {  	_ = 	snop  }
0xdd: {  	_ = 	snop  }
0xde: {  	s23 =	smov.u32 s3;
	s3 =	smov.u32 s4;
	s4 =	smov.u32 s5  }
0xdf: {  	_ = 	snop  }
.LBB2_12:
0xe0: {  	_ =	sfence.sel $0x180000  }
0xe1: {  	[bflag:$0x0] =	sbarrier.arrive $0xFFFF  }
0xe2: {  	_ =	strace $0x90000047  }
0xe3: {  	s0 =	stileid.u32;
	[bflag:$0x2] =	sbarrier.arrive $0xFFFF  }
0xe4: {  	p0 =	sne.s32 s0, $0x0;
	s0 =	rddreg [dreg:$0x8]  }
0xe5: {  	s0 =	sadd.s32 @!p0 $0x100000, s0  }
0xe6: {  	[sflag:s0] =	ssyncadd.tile.s32 @!p0 $0x1;
	_ =	shalt  }
.Lfunc_end2:
_tile_overlayer_lowered:
.L_overlay_start_2:
0xe7: {  	(tag) =	ssettag $0x2  }
0xe8: {  	s0 =	rddreg [dreg:$0x0];
	s2 =	stileid.u32  }
0xe9: {  	s1 =	rddreg [dreg:$0x1];
	p0 =	sne.s32 s2, $0x0  }
0xea: {  	s3 =	rddreg [dreg:$0x2];
	[bflag:$0x3] =	sbarrier.arrive $0xFFFF;
	s2 =	simm.s32 @!p0 $0x1C0D  }
0xeb: {  	[timem:s3], [sflag:s2] =	dma.local @!p0 [hbm:s0], s1  }
0xec: {  	s0 =	simm.s32 @!p0 $0xD  }
0xed: {  	_ =	swait.ge @!p0 [sflag:s0], s1  }
0xee: {  	s1 =	ssub.s32 @!p0 $0x0, s1;
	[sflag:s0] =	ssyncset.done @!p0 $0x0  }
0xef: {  	[sflag:s0] =	ssyncadd.s32 @!p0 s1  }
0xf0: {  	[bflag:$0x3] =	sbarrier.arrive $0xFFFF  }
0xf1: {  	_ =	shalt  }

</sc_bundles>
